<compile_context>
chip_gen: v7x
topology: tpu7x:2x2x1
jax: 0.10.2.dev20260603
libtpu: 0.0.44.dev20260713+nightly
codegen_flags: <defaults>
</compile_context>

<pallas_src>
import functools

import jax
import jax.numpy as jnp
from jax import lax
from jax.experimental import pallas as pl
from jax.experimental.pallas import tpu as pltpu
from jax.experimental.pallas import tpu_sc as plsc

N = 10000
E = 320000
DIM = 128
HEADS = 8
HEAD_DIM = DIM // HEADS
EXP_HEADS = 8

NGRP = E // 128
GRP_PER_SC = NGRP // 2
GRP_BASE = GRP_PER_SC // 16
GRP_REM = GRP_PER_SC % 16
ROWS_PER_TILE = 632
NP = 16 * ROWS_PER_TILE


def _pack_halves(a, b):
    lo = lax.bitcast_convert_type(a.astype(jnp.bfloat16), jnp.uint16).astype(jnp.uint32)
    hi = lax.bitcast_convert_type(b.astype(jnp.bfloat16), jnp.uint16).astype(jnp.uint32)
    return lax.bitcast_convert_type(lo | (hi << 16), jnp.int32)


def _unpack_halves(p):
    u = lax.bitcast_convert_type(p, jnp.uint32)
    lo = lax.bitcast_convert_type((u & 0xFFFF).astype(jnp.uint16), jnp.bfloat16)
    hi = lax.bitcast_convert_type((u >> 16).astype(jnp.uint16), jnp.bfloat16)
    return lo.astype(jnp.float32), hi.astype(jnp.float32)


def _proj_body(x_ref, wq_ref, wk_ref, wv_ref, q_ref, kv_ref, v_ref, *, scale):
    x = x_ref[...]
    q_ref[...] = jnp.dot(x, wq_ref[...].T, preferred_element_type=jnp.float32)
    k = jnp.dot(x, wk_ref[...].T, preferred_element_type=jnp.float32) * scale
    v = jnp.dot(x, wv_ref[...].T, preferred_element_type=jnp.float32)
    kv_ref[...] = _pack_halves(k, v)
    v_ref[...] = v


def _edge_body(e_ref, qe_ref, kve_ref, wek_ref, wev_ref, p_ref, r_ref,
               msg_ref, exb_ref, *, scale):
    e = e_ref[...]
    ek = jnp.dot(e, wek_ref[...].T, preferred_element_type=jnp.float32) * scale
    ev = jnp.dot(e, wev_ref[...].T, preferred_element_type=jnp.float32)
    qe = qe_ref[...]
    kg, vg = _unpack_halves(kve_ref[...])
    ke = kg + ek
    scores = jnp.dot(qe * ke, p_ref[...], preferred_element_type=jnp.float32)
    ex = jnp.exp(jnp.minimum(scores, 75.0))
    ex128 = jnp.dot(ex, r_ref[...], preferred_element_type=jnp.float32)
    ve = vg + ev
    msg_ref[...] = ex128 * ve
    exb_ref[...] = ex128


GW_BLK = 80
NGRP_PAD = 32 * GW_BLK


def _gather_body(q_hbm, kv_hbm, rowp_hbm, colp_hbm, qe_out, kve_out,
                 idxr_v, idxc_v, stq_v, stkv_v, stq2_v, stkv2_v,
                 semq, semkv, semq2, semkv2):
    c = lax.axis_index("c")
    s = lax.axis_index("s")
    wid = c * 16 + s
    base = wid * GW_BLK
    count = jnp.minimum(GW_BLK, NGRP - base)
    pltpu.sync_copy(rowp_hbm.at[pl.ds(base, GW_BLK)], idxr_v)
    pltpu.sync_copy(colp_hbm.at[pl.ds(base, GW_BLK)], idxc_v)

    def body(j, carry):
        i0 = 2 * j
        g0 = (base + i0) * 128
        cp1 = pltpu.async_copy(q_hbm.at[idxr_v.at[i0]], stq_v, semq)
        cp2 = pltpu.async_copy(kv_hbm.at[idxc_v.at[i0]], stkv_v, semkv)
        cp3 = pltpu.async_copy(q_hbm.at[idxr_v.at[i0 + 1]], stq2_v, semq2)
        cp4 = pltpu.async_copy(kv_hbm.at[idxc_v.at[i0 + 1]], stkv2_v, semkv2)
        cp1.wait()
        o1 = pltpu.async_copy(stq_v, qe_out.at[pl.ds(g0, 128)], semq)
        cp2.wait()
        o2 = pltpu.async_copy(stkv_v, kve_out.at[pl.ds(g0, 128)], semkv)
        cp3.wait()
        o3 = pltpu.async_copy(stq2_v, qe_out.at[pl.ds(g0 + 128, 128)], semq2)
        cp4.wait()
        o4 = pltpu.async_copy(stkv2_v, kve_out.at[pl.ds(g0 + 128, 128)], semkv2)
        o1.wait()
        o2.wait()
        o3.wait()
        o4.wait()
        return carry

    lax.fori_loop(0, count // 2, body, 0)


def _scatter_body(msg_hbm, exb_hbm, rowp_hbm, zro_hbm,
                  num_out, den_out,
                  idxs_v, st0_v, st1_v, acc, sem_a, sem_b):
    c = lax.axis_index("c")
    s = lax.axis_index("s")
    wid = c * 16 + s
    base = wid * GW_BLK
    count = jnp.minimum(GW_BLK, NGRP - base)
    rslice = pl.ds(s * ROWS_PER_TILE, ROWS_PER_TILE)
    pltpu.sync_copy(rowp_hbm.at[pl.ds(base, GW_BLK)], idxs_v)

    def phase(data_hbm, out_hbm):
        pltpu.sync_copy(zro_hbm.at[rslice], acc.at[rslice])
        plsc.subcore_barrier()

        def body(j, carry):
            g0 = (base + 2 * j) * 128
            c0 = pltpu.async_copy(data_hbm.at[pl.ds(g0, 128)], st0_v, sem_a)
            c1 = pltpu.async_copy(data_hbm.at[pl.ds(g0 + 128, 128)], st1_v, sem_b)
            c0.wait()
            s0 = pltpu.async_copy(st0_v, acc.at[idxs_v.at[2 * j]], sem_a, add=True)
            c1.wait()
            s1 = pltpu.async_copy(st1_v, acc.at[idxs_v.at[2 * j + 1]], sem_b, add=True)
            s0.wait()
            s1.wait()
            return carry

        lax.fori_loop(0, count // 2, body, 0)
        plsc.subcore_barrier()
        pltpu.sync_copy(acc.at[rslice], out_hbm.at[c, rslice])
        plsc.subcore_barrier()

    phase(msg_hbm, num_out)
    phase(exb_hbm, den_out)


def _finish_body(v_ref, num_ref, den_ref, wout_ref, o_ref):
    v = v_ref[...]
    num = num_ref[0] + num_ref[1]
    den = den_ref[0] + den_ref[1]
    out = v - num / (den + 1e-9)
    o_ref[...] = jnp.dot(out, wout_ref[...].T, preferred_element_type=jnp.float32)


def kernel(x, edges, edge_index, Wq, Wk, Wv, Wek, Wev, Wexp, Wout):
    scale = HEAD_DIM ** -0.5
    BN = 1000
    q, kv, vfull = pl.pallas_call(
        functools.partial(_proj_body, scale=scale),
        grid=(N // BN,),
        in_specs=[
            pl.BlockSpec((BN, DIM), lambda i: (i, 0)),
            pl.BlockSpec((DIM, DIM), lambda i: (0, 0)),
            pl.BlockSpec((DIM, DIM), lambda i: (0, 0)),
            pl.BlockSpec((DIM, DIM), lambda i: (0, 0)),
        ],
        out_specs=[
            pl.BlockSpec((BN, DIM), lambda i: (i, 0)),
            pl.BlockSpec((BN, DIM), lambda i: (i, 0)),
            pl.BlockSpec((BN, DIM), lambda i: (i, 0)),
        ],
        out_shape=[
            jax.ShapeDtypeStruct((N, DIM), jnp.float32),
            jax.ShapeDtypeStruct((N, DIM), jnp.int32),
            jax.ShapeDtypeStruct((N, DIM), jnp.float32),
        ],
    )(x, Wq, Wk, Wv)

    row = edge_index[0]
    col = edge_index[1]
    zpad = jnp.zeros((NGRP_PAD - NGRP, 128), jnp.int32)
    rowp = jnp.concatenate([row.reshape(NGRP, 128), zpad])
    colp = jnp.concatenate([col.reshape(NGRP, 128), zpad])
    qe, kve = pl.kernel(
        _gather_body,
        out_type=[
            jax.ShapeDtypeStruct((E, DIM), jnp.float32),
            jax.ShapeDtypeStruct((E, DIM), jnp.int32),
        ],
        mesh=plsc.VectorSubcoreMesh(core_axis_name="c", subcore_axis_name="s"),
        scratch_types=[
            pltpu.VMEM((GW_BLK, 128), jnp.int32),
            pltpu.VMEM((GW_BLK, 128), jnp.int32),
            pltpu.VMEM((128, DIM), jnp.float32),
            pltpu.VMEM((128, DIM), jnp.int32),
            pltpu.VMEM((128, DIM), jnp.float32),
            pltpu.VMEM((128, DIM), jnp.int32),
            pltpu.SemaphoreType.DMA,
            pltpu.SemaphoreType.DMA,
            pltpu.SemaphoreType.DMA,
            pltpu.SemaphoreType.DMA,
        ],
    )(q, kv, rowp, colp)

    P = jnp.repeat(Wexp.T, HEAD_DIM, axis=0)
    R = jnp.repeat(jnp.eye(EXP_HEADS, dtype=jnp.float32), HEAD_DIM, axis=1)

    BE = 2000
    msg, exb = pl.pallas_call(
        functools.partial(_edge_body, scale=scale),
        grid=(E // BE,),
        in_specs=[
            pl.BlockSpec((BE, DIM), lambda i: (i, 0)),
            pl.BlockSpec((BE, DIM), lambda i: (i, 0)),
            pl.BlockSpec((BE, DIM), lambda i: (i, 0)),
            pl.BlockSpec((DIM, DIM), lambda i: (0, 0)),
            pl.BlockSpec((DIM, DIM), lambda i: (0, 0)),
            pl.BlockSpec((DIM, EXP_HEADS), lambda i: (0, 0)),
            pl.BlockSpec((EXP_HEADS, DIM), lambda i: (0, 0)),
        ],
        out_specs=[
            pl.BlockSpec((BE, DIM), lambda i: (i, 0)),
            pl.BlockSpec((BE, DIM), lambda i: (i, 0)),
        ],
        out_shape=[
            jax.ShapeDtypeStruct((E, DIM), jnp.float32),
            jax.ShapeDtypeStruct((E, DIM), jnp.float32),
        ],
    )(edges, qe, kve, Wek, Wev, P, R)

    zros = jnp.zeros((NP, DIM), jnp.float32)
    num2, den2 = pl.kernel(
        _scatter_body,
        out_type=[
            jax.ShapeDtypeStruct((2, NP, DIM), jnp.float32),
            jax.ShapeDtypeStruct((2, NP, DIM), jnp.float32),
        ],
        mesh=plsc.VectorSubcoreMesh(core_axis_name="c", subcore_axis_name="s"),
        scratch_types=[
            pltpu.VMEM((GW_BLK, 128), jnp.int32),
            pltpu.VMEM((128, DIM), jnp.float32),
            pltpu.VMEM((128, DIM), jnp.float32),
            pltpu.VMEM_SHARED((NP, DIM), jnp.float32),
            pltpu.SemaphoreType.DMA,
            pltpu.SemaphoreType.DMA,
        ],
    )(msg, exb, rowp, zros)

    out = pl.pallas_call(
        _finish_body,
        grid=(N // BN,),
        in_specs=[
            pl.BlockSpec((BN, DIM), lambda i: (i, 0)),
            pl.BlockSpec((2, BN, DIM), lambda i: (0, i, 0)),
            pl.BlockSpec((2, BN, DIM), lambda i: (0, i, 0)),
            pl.BlockSpec((DIM, DIM), lambda i: (0, 0)),
        ],
        out_specs=pl.BlockSpec((BN, DIM), lambda i: (i, 0)),
        out_shape=jax.ShapeDtypeStruct((N, DIM), jnp.float32),
    )(vfull, num2, den2, Wout)
    return out

# --- scband reference (transcript-rebuilt; emitter-appended) ---
"""Pipeline reference for scband-graph-laplacian-attention-27410481283447 (READ-ONLY COPY).

The authoritative reference and input builder live on the scoring server;
editing this copy changes nothing except your own understanding.
"""

import jax, jax.numpy as jnp
import numpy as np

N = 10000
E = 320000
DIM = 128
HEADS = 8
HEAD_DIM = DIM // HEADS
EXP_HEADS = 8  # int(head_expand_scale * heads) with head_expand_scale=1.0


def setup_inputs(seed: int = 0) -> dict:
    key = jax.random.key(seed)
    ks = jax.random.split(key, 10)
    x = jax.random.normal(ks[0], (N, DIM), dtype=jnp.float32)
    edges = jax.random.normal(ks[1], (E, DIM), dtype=jnp.float32)
    edge_index = jax.random.randint(ks[2], (2, E), 0, N, dtype=jnp.int32)
    s = DIM ** -0.5
    Wq = jax.random.normal(ks[3], (DIM, DIM), dtype=jnp.float32) * s
    Wk = jax.random.normal(ks[4], (DIM, DIM), dtype=jnp.float32) * s
    Wv = jax.random.normal(ks[5], (EXP_HEADS * HEAD_DIM, DIM), dtype=jnp.float32) * s
    Wek = jax.random.normal(ks[6], (DIM, DIM), dtype=jnp.float32) * s
    Wev = jax.random.normal(ks[7], (EXP_HEADS * HEAD_DIM, DIM), dtype=jnp.float32) * s
    Wexp = jax.random.normal(ks[8], (EXP_HEADS, HEADS), dtype=jnp.float32) * (HEADS ** -0.5)
    Wout = jax.random.normal(ks[9], (DIM, EXP_HEADS * HEAD_DIM), dtype=jnp.float32) * ((EXP_HEADS * HEAD_DIM) ** -0.5)
    return {"x": x, "edges": edges, "edge_index": edge_index, "Wq": Wq, "Wk": Wk, "Wv": Wv,
            "Wek": Wek, "Wev": Wev, "Wexp": Wexp, "Wout": Wout}


def reference(x, edges, edge_index, Wq, Wk, Wv, Wek, Wev, Wexp, Wout):
    n = x.shape[0]
    scale = HEAD_DIM ** -0.5
    # node projections (per-head layout [n, h, d])
    q = (x @ Wq.T).reshape(n, HEADS, HEAD_DIM)
    k = (x @ Wk.T).reshape(n, HEADS, HEAD_DIM) * scale
    v = (x @ Wv.T).reshape(n, EXP_HEADS, HEAD_DIM)
    # edge projections
    ek = (edges @ Wek.T).reshape(-1, HEADS, HEAD_DIM) * scale
    ev = (edges @ Wev.T).reshape(-1, EXP_HEADS, HEAD_DIM)
    row = edge_index[0]
    col = edge_index[1]
    # per-edge elementwise attention logits: <q_src, k_dst + edge_k>
    qe = jnp.take(q, row, axis=0)
    ke = jnp.take(k, col, axis=0) + ek
    scores = jnp.sum(qe * ke, axis=-1)  # [E, HEADS]
    # attn head expansion (heads -> expanded_heads)
    scores = scores @ Wexp.T  # [E, EXP_HEADS]
    # sparse row-wise softmax (equivalent to dense softmax with mask_value fill on edge support)
    smax = jax.ops.segment_max(scores, row, num_segments=n)
    smax = jnp.where(jnp.isfinite(smax), smax, 0.0)
    ex = jnp.exp(scores - jnp.take(smax, row, axis=0))
    denom = jax.ops.segment_sum(ex, row, num_segments=n)
    attn = ex / (jnp.take(denom, row, axis=0) + 1e-9)  # [E, EXP_HEADS]
    # v = v + edge_v (edge values added on the gathered neighbors)
    ve = jnp.take(v, col, axis=0) + ev  # [E, EXP_HEADS, HEAD_DIM]
    msg = attn[:, :, None] * ve
    agg = jax.ops.segment_sum(msg, row, num_segments=n)  # A @ v
    # graph Laplacian: (I - A) v
    out = v - agg
    out = out.reshape(n, EXP_HEADS * HEAD_DIM) @ Wout.T
    return out

if __name__ == "__main__":
    import jax
    _d = setup_inputs()
    print(jax.jit(kernel)(*tuple(_d.values())))

</pallas_src>

<mosaic_0001>
#map = affine_map<(d0, d1) -> (0, 0)>
#map1 = affine_map<(d0, d1) -> (0, 0, 0)>
module attributes {stable_mosaic.version = 14 : i64} {
  func.func @_scatter_body(%arg0: i32, %arg1: i32, %arg2: memref<320000x128xf32, #tpu.memory_space<hbm>>, %arg3: memref<320000x128xf32, #tpu.memory_space<hbm>>, %arg4: memref<2560x128xi32, #tpu.memory_space<hbm>>, %arg5: memref<10112x128xf32, #tpu.memory_space<hbm>>, %arg6: memref<2x10112x128xf32, #tpu.memory_space<hbm>>, %arg7: memref<2x10112x128xf32, #tpu.memory_space<hbm>>, %arg8: memref<80x128xi32, #tpu.memory_space<vmem>>, %arg9: memref<128x128xf32, #tpu.memory_space<vmem>>, %arg10: memref<128x128xf32, #tpu.memory_space<vmem>>, %arg11: memref<10112x128xf32, #tpu.memory_space<vmem_shared>>, %arg12: memref<!tpu.dma_semaphore, #tpu.memory_space<semaphore_mem>>, %arg13: memref<!tpu.dma_semaphore, #tpu.memory_space<semaphore_mem>>) attributes {dimension_semantics = [#tpu.dimension_semantics<core_parallel>, #tpu.dimension_semantics<subcore_parallel>], iteration_bounds = array<i64: 2, 16>, scalar_prefetch = 0 : i64, scratch_operands = 6 : i64, tpu.core_type = #tpu.core_type<sc_vector_subcore>, window_params = [{transform_indices = #map}, {transform_indices = #map}, {transform_indices = #map}, {transform_indices = #map}, {transform_indices = #map1}, {transform_indices = #map1}]} {
    %mul3A = arith.constant 16 : i32
    %mul3A_0 = arith.muli %arg0, %mul3A : i32
    %add3A = arith.addi %mul3A_0, %arg1 : i32
    %mul3A_1 = arith.constant 80 : i32
    %mul3A_2 = arith.muli %add3A, %mul3A_1 : i32
    %sub3A = arith.constant 2500 : i32
    %sub3A_3 = arith.subi %sub3A, %mul3A_2 : i32
    %min3A = arith.constant 80 : i32
    %min3A_4 = arith.minsi %min3A, %sub3A_3 : i32
    %mul3A_5 = arith.constant 632 : i32
    %mul3A_6 = arith.muli %arg1, %mul3A_5 : i32
    "tpu.region"() ({
      %run_scoped3A = tpu.sem_alloc : memref<!tpu.dma_semaphore, #tpu.memory_space<semaphore_mem>>
      %dma_start3A = arith.constant 0 : i32
      %dma_start3A_72 = tpu.memref_slice %arg4[%mul3A_2, %dma_start3A] : memref<2560x128xi32, #tpu.memory_space<hbm>> -> memref<80x128xi32, #tpu.memory_space<hbm>>
      %dma_start3A_73 = arith.constant 0 : i32
      %dma_start3A_74 = tpu.memref_slice %arg4[%mul3A_2, %dma_start3A_73] : memref<2560x128xi32, #tpu.memory_space<hbm>> -> memref<80x128xi32, #tpu.memory_space<hbm>>
      tpu.enqueue_dma source(%dma_start3A_74 : memref<80x128xi32, #tpu.memory_space<hbm>>) target(%arg8 : memref<80x128xi32, #tpu.memory_space<vmem>>) target_semaphore(%run_scoped3A : memref<!tpu.dma_semaphore, #tpu.memory_space<semaphore_mem>>)
      %dma_wait3A = arith.constant 0 : i32
      %dma_wait3A_75 = tpu.memref_slice %arg4[%mul3A_2, %dma_wait3A] : memref<2560x128xi32, #tpu.memory_space<hbm>> -> memref<80x128xi32, #tpu.memory_space<hbm>>
      %dma_wait3A_76 = arith.constant 0 : i32
      %dma_wait3A_77 = tpu.memref_slice %arg4[%mul3A_2, %dma_wait3A_76] : memref<2560x128xi32, #tpu.memory_space<hbm>> -> memref<80x128xi32, #tpu.memory_space<hbm>>
      tpu.wait_dma2 semaphore(%run_scoped3A : memref<!tpu.dma_semaphore, #tpu.memory_space<semaphore_mem>>) src(%dma_wait3A_77 : memref<80x128xi32, #tpu.memory_space<hbm>>) dst(%arg8 : memref<80x128xi32, #tpu.memory_space<vmem>>)
      tpu.yield
    }) : () -> ()
    "tpu.region"() ({
      %run_scoped3A = tpu.sem_alloc : memref<!tpu.dma_semaphore, #tpu.memory_space<semaphore_mem>>
      %dma_start3A = arith.constant 0 : i32
      %dma_start3A_72 = tpu.memref_slice %arg11[%mul3A_6, %dma_start3A] : memref<10112x128xf32, #tpu.memory_space<vmem_shared>> -> memref<632x128xf32, #tpu.memory_space<vmem_shared>>
      %dma_start3A_73 = arith.constant 0 : i32
      %dma_start3A_74 = tpu.memref_slice %arg5[%mul3A_6, %dma_start3A_73] : memref<10112x128xf32, #tpu.memory_space<hbm>> -> memref<632x128xf32, #tpu.memory_space<hbm>>
      tpu.enqueue_dma source(%dma_start3A_74 : memref<632x128xf32, #tpu.memory_space<hbm>>) target(%dma_start3A_72 : memref<632x128xf32, #tpu.memory_space<vmem_shared>>) target_semaphore(%run_scoped3A : memref<!tpu.dma_semaphore, #tpu.memory_space<semaphore_mem>>)
      %dma_wait3A = arith.constant 0 : i32
      %dma_wait3A_75 = tpu.memref_slice %arg11[%mul3A_6, %dma_wait3A] : memref<10112x128xf32, #tpu.memory_space<vmem_shared>> -> memref<632x128xf32, #tpu.memory_space<vmem_shared>>
      %dma_wait3A_76 = arith.constant 0 : i32
      %dma_wait3A_77 = tpu.memref_slice %arg5[%mul3A_6, %dma_wait3A_76] : memref<10112x128xf32, #tpu.memory_space<hbm>> -> memref<632x128xf32, #tpu.memory_space<hbm>>
      tpu.wait_dma2 semaphore(%run_scoped3A : memref<!tpu.dma_semaphore, #tpu.memory_space<semaphore_mem>>) src(%dma_wait3A_77 : memref<632x128xf32, #tpu.memory_space<hbm>>) dst(%dma_wait3A_75 : memref<632x128xf32, #tpu.memory_space<vmem_shared>>)
      tpu.yield
    }) : () -> ()
    %barrier3A = arith.constant 0 : index
    tpu.barrier barrier_id(%barrier3A)
    %jit3A = arith.constant 2 : i32
    %div3A = arith.divsi %min3A_4, %jit3A : i32
    %sign3A = arith.constant 0 : i32
    %sign3A_7 = arith.cmpi sgt, %min3A_4, %sign3A : i32
    %sign3A_8 = arith.extui %sign3A_7 : i1 to i32
    %sign3A_9 = arith.constant 0 : i32
    %sign3A_10 = arith.cmpi slt, %min3A_4, %sign3A_9 : i32
    %sign3A_11 = arith.extui %sign3A_10 : i1 to i32
    %sign3A_12 = arith.subi %sign3A_8, %sign3A_11 : i32
    %sign3A_13 = arith.constant 0 : i32
    %sign3A_14 = arith.cmpi sgt, %jit3A, %sign3A_13 : i32
    %sign3A_15 = arith.extui %sign3A_14 : i1 to i32
    %sign3A_16 = arith.constant 0 : i32
    %sign3A_17 = arith.cmpi slt, %jit3A, %sign3A_16 : i32
    %sign3A_18 = arith.extui %sign3A_17 : i1 to i32
    %sign3A_19 = arith.subi %sign3A_15, %sign3A_18 : i32
    %ne3A = arith.cmpi ne, %sign3A_12, %sign3A_19 : i32
    %rem3A = arith.remsi %min3A_4, %jit3A : i32
    %ne3A_20 = arith.constant 0 : i32
    %ne3A_21 = arith.cmpi ne, %rem3A, %ne3A_20 : i32
    %and3A = arith.andi %ne3A, %ne3A_21 : i1
    %sub3A_22 = arith.constant 1 : i32
    %sub3A_23 = arith.subi %div3A, %sub3A_22 : i32
    %select_n3A = arith.select %and3A, %sub3A_23, %div3A : i32
    %while3A = arith.constant 0 : i32
    %while3A_24 = arith.constant 0 : i32
    %while3A_25 = arith.subi %select_n3A, %while3A_24 : i32
    %while3A_26 = arith.addi %while3A_24, %while3A_25 : i32
    %while3A_27 = arith.constant 1 : i32
    %while3A_28 = arith.divsi %while3A_25, %while3A_27 : i32
    %while3A_29 = arith.muli %while3A_28, %while3A_27 : i32
    %while3A_30 = arith.addi %while3A_24, %while3A_29 : i32
    %while3A_31 = arith.constant 1 : i32
    scf.for %while3A_72 = %while3A_24 to %while3A_30 step %while3A_31  : i32 {
      %mul3A_73 = arith.constant 2 : i32
      %mul3A_74 = arith.muli %mul3A_73, %while3A_72 : i32
      %add3A_75 = arith.addi %mul3A_2, %mul3A_74 : i32
      %mul3A_76 = arith.constant 128 : i32
      %mul3A_77 = arith.muli %add3A_75, %mul3A_76 : i32
      %dma_start3A = arith.constant 0 : i32
      %dma_start3A_78 = tpu.memref_slice %arg2[%mul3A_77, %dma_start3A] : memref<320000x128xf32, #tpu.memory_space<hbm>> -> memref<128x128xf32, #tpu.memory_space<hbm>>
      %dma_start3A_79 = arith.constant 0 : i32
      %dma_start3A_80 = tpu.memref_slice %arg2[%mul3A_77, %dma_start3A_79] : memref<320000x128xf32, #tpu.memory_space<hbm>> -> memref<128x128xf32, #tpu.memory_space<hbm>>
      tpu.enqueue_dma source(%dma_start3A_80 : memref<128x128xf32, #tpu.memory_space<hbm>>) target(%arg9 : memref<128x128xf32, #tpu.memory_space<vmem>>) target_semaphore(%arg12 : memref<!tpu.dma_semaphore, #tpu.memory_space<semaphore_mem>>)
      %add3A_81 = arith.constant 128 : i32
      %add3A_82 = arith.addi %mul3A_77, %add3A_81 : i32
      %dma_start3A_83 = arith.constant 0 : i32
      %dma_start3A_84 = tpu.memref_slice %arg2[%add3A_82, %dma_start3A_83] : memref<320000x128xf32, #tpu.memory_space<hbm>> -> memref<128x128xf32, #tpu.memory_space<hbm>>
      %dma_start3A_85 = arith.constant 0 : i32
      %dma_start3A_86 = tpu.memref_slice %arg2[%add3A_82, %dma_start3A_85] : memref<320000x128xf32, #tpu.memory_space<hbm>> -> memref<128x128xf32, #tpu.memory_space<hbm>>
      tpu.enqueue_dma source(%dma_start3A_86 : memref<128x128xf32, #tpu.memory_space<hbm>>) target(%arg10 : memref<128x128xf32, #tpu.memory_space<vmem>>) target_semaphore(%arg13 : memref<!tpu.dma_semaphore, #tpu.memory_space<semaphore_mem>>)
      %dma_wait3A = arith.constant 0 : i32
      %dma_wait3A_87 = tpu.memref_slice %arg2[%mul3A_77, %dma_wait3A] : memref<320000x128xf32, #tpu.memory_space<hbm>> -> memref<128x128xf32, #tpu.memory_space<hbm>>
      %dma_wait3A_88 = arith.constant 0 : i32
      %dma_wait3A_89 = tpu.memref_slice %arg2[%mul3A_77, %dma_wait3A_88] : memref<320000x128xf32, #tpu.memory_space<hbm>> -> memref<128x128xf32, #tpu.memory_space<hbm>>
      tpu.wait_dma2 semaphore(%arg12 : memref<!tpu.dma_semaphore, #tpu.memory_space<semaphore_mem>>) src(%dma_wait3A_89 : memref<128x128xf32, #tpu.memory_space<hbm>>) dst(%arg9 : memref<128x128xf32, #tpu.memory_space<vmem>>)
      %mul3A_90 = arith.constant 2 : i32
      %mul3A_91 = arith.muli %mul3A_90, %while3A_72 : i32
      %dma_start3A_92 = arith.constant 0 : i32
      %dma_start3A_93 = tpu.memref_slice %arg8[%mul3A_91, %dma_start3A_92] : memref<80x128xi32, #tpu.memory_space<vmem>> -> memref<1x128xi32, #tpu.memory_space<vmem>>
      %dma_start3A_94 = tpu.memref_squeeze %dma_start3A_93 : memref<1x128xi32, #tpu.memory_space<vmem>> -> memref<128xi32, #tpu.memory_space<vmem>>
      %dma_start3A_95 = arith.constant 0 : i32
      %dma_start3A_96 = arith.constant 0 : i32
      %dma_start3A_97 = tpu.memref_slice %arg11[%dma_start3A_95, %dma_start3A_96] : memref<10112x128xf32, #tpu.memory_space<vmem_shared>> -> memref<10112x128xf32, #tpu.memory_space<vmem_shared>>
      tpu.enqueue_indirect_dma source(%arg9 : memref<128x128xf32, #tpu.memory_space<vmem>>) target(%dma_start3A_97 : memref<10112x128xf32, #tpu.memory_space<vmem_shared>>) offsets(%dma_start3A_94 : memref<128xi32, #tpu.memory_space<vmem>>) semaphore(%arg12 : memref<!tpu.dma_semaphore, #tpu.memory_space<semaphore_mem>>) {add = true}
      %dma_wait3A_98 = arith.constant 0 : i32
      %dma_wait3A_99 = tpu.memref_slice %arg2[%add3A_82, %dma_wait3A_98] : memref<320000x128xf32, #tpu.memory_space<hbm>> -> memref<128x128xf32, #tpu.memory_space<hbm>>
      %dma_wait3A_100 = arith.constant 0 : i32
      %dma_wait3A_101 = tpu.memref_slice %arg2[%add3A_82, %dma_wait3A_100] : memref<320000x128xf32, #tpu.memory_space<hbm>> -> memref<128x128xf32, #tpu.memory_space<hbm>>
      tpu.wait_dma2 semaphore(%arg13 : memref<!tpu.dma_semaphore, #tpu.memory_space<semaphore_mem>>) src(%dma_wait3A_101 : memref<128x128xf32, #tpu.memory_space<hbm>>) dst(%arg10 : memref<128x128xf32, #tpu.memory_space<vmem>>)
      %mul3A_102 = arith.constant 2 : i32
      %mul3A_103 = arith.muli %mul3A_102, %while3A_72 : i32
      %add3A_104 = arith.constant 1 : i32
      %add3A_105 = arith.addi %mul3A_103, %add3A_104 : i32
      %dma_start3A_106 = arith.constant 0 : i32
      %dma_start3A_107 = tpu.memref_slice %arg8[%add3A_105, %dma_start3A_106] : memref<80x128xi32, #tpu.memory_space<vmem>> -> memref<1x128xi32, #tpu.memory_space<vmem>>
      %dma_start3A_108 = tpu.memref_squeeze %dma_start3A_107 : memref<1x128xi32, #tpu.memory_space<vmem>> -> memref<128xi32, #tpu.memory_space<vmem>>
      %dma_start3A_109 = arith.constant 0 : i32
      %dma_start3A_110 = arith.constant 0 : i32
      %dma_start3A_111 = tpu.memref_slice %arg11[%dma_start3A_109, %dma_start3A_110] : memref<10112x128xf32, #tpu.memory_space<vmem_shared>> -> memref<10112x128xf32, #tpu.memory_space<vmem_shared>>
      tpu.enqueue_indirect_dma source(%arg10 : memref<128x128xf32, #tpu.memory_space<vmem>>) target(%dma_start3A_111 : memref<10112x128xf32, #tpu.memory_space<vmem_shared>>) offsets(%dma_start3A_108 : memref<128xi32, #tpu.memory_space<vmem>>) semaphore(%arg13 : memref<!tpu.dma_semaphore, #tpu.memory_space<semaphore_mem>>) {add = true}
      %dma_wait3A_112 = arith.constant 0 : i32
      %dma_wait3A_113 = tpu.memref_slice %arg8[%mul3A_91, %dma_wait3A_112] : memref<80x128xi32, #tpu.memory_space<vmem>> -> memref<1x128xi32, #tpu.memory_space<vmem>>
      %dma_wait3A_114 = tpu.memref_squeeze %dma_wait3A_113 : memref<1x128xi32, #tpu.memory_space<vmem>> -> memref<128xi32, #tpu.memory_space<vmem>>
      %dma_wait3A_115 = arith.constant 0 : i32
      %dma_wait3A_116 = arith.constant 0 : i32
      %dma_wait3A_117 = tpu.memref_slice %arg11[%dma_wait3A_115, %dma_wait3A_116] : memref<10112x128xf32, #tpu.memory_space<vmem_shared>> -> memref<10112x128xf32, #tpu.memory_space<vmem_shared>>
      tpu.wait_indirect_dma semaphore(%arg12 : memref<!tpu.dma_semaphore, #tpu.memory_space<semaphore_mem>>) src(%arg9 : memref<128x128xf32, #tpu.memory_space<vmem>>) dst(%dma_wait3A_117 : memref<10112x128xf32, #tpu.memory_space<vmem_shared>>)
      %dma_wait3A_118 = arith.constant 0 : i32
      %dma_wait3A_119 = tpu.memref_slice %arg8[%add3A_105, %dma_wait3A_118] : memref<80x128xi32, #tpu.memory_space<vmem>> -> memref<1x128xi32, #tpu.memory_space<vmem>>
      %dma_wait3A_120 = tpu.memref_squeeze %dma_wait3A_119 : memref<1x128xi32, #tpu.memory_space<vmem>> -> memref<128xi32, #tpu.memory_space<vmem>>
      %dma_wait3A_121 = arith.constant 0 : i32
      %dma_wait3A_122 = arith.constant 0 : i32
      %dma_wait3A_123 = tpu.memref_slice %arg11[%dma_wait3A_121, %dma_wait3A_122] : memref<10112x128xf32, #tpu.memory_space<vmem_shared>> -> memref<10112x128xf32, #tpu.memory_space<vmem_shared>>
      tpu.wait_indirect_dma semaphore(%arg13 : memref<!tpu.dma_semaphore, #tpu.memory_space<semaphore_mem>>) src(%arg10 : memref<128x128xf32, #tpu.memory_space<vmem>>) dst(%dma_wait3A_123 : memref<10112x128xf32, #tpu.memory_space<vmem_shared>>)
    }
    %while3A_32 = arith.constant 1 : i32
    scf.for %while3A_72 = %while3A_30 to %while3A_26 step %while3A_32  : i32 {
      %mul3A_73 = arith.constant 2 : i32
      %mul3A_74 = arith.muli %mul3A_73, %while3A_72 : i32
      %add3A_75 = arith.addi %mul3A_2, %mul3A_74 : i32
      %mul3A_76 = arith.constant 128 : i32
      %mul3A_77 = arith.muli %add3A_75, %mul3A_76 : i32
      %dma_start3A = arith.constant 0 : i32
      %dma_start3A_78 = tpu.memref_slice %arg2[%mul3A_77, %dma_start3A] : memref<320000x128xf32, #tpu.memory_space<hbm>> -> memref<128x128xf32, #tpu.memory_space<hbm>>
      %dma_start3A_79 = arith.constant 0 : i32
      %dma_start3A_80 = tpu.memref_slice %arg2[%mul3A_77, %dma_start3A_79] : memref<320000x128xf32, #tpu.memory_space<hbm>> -> memref<128x128xf32, #tpu.memory_space<hbm>>
      tpu.enqueue_dma source(%dma_start3A_80 : memref<128x128xf32, #tpu.memory_space<hbm>>) target(%arg9 : memref<128x128xf32, #tpu.memory_space<vmem>>) target_semaphore(%arg12 : memref<!tpu.dma_semaphore, #tpu.memory_space<semaphore_mem>>)
      %add3A_81 = arith.constant 128 : i32
      %add3A_82 = arith.addi %mul3A_77, %add3A_81 : i32
      %dma_start3A_83 = arith.constant 0 : i32
      %dma_start3A_84 = tpu.memref_slice %arg2[%add3A_82, %dma_start3A_83] : memref<320000x128xf32, #tpu.memory_space<hbm>> -> memref<128x128xf32, #tpu.memory_space<hbm>>
      %dma_start3A_85 = arith.constant 0 : i32
      %dma_start3A_86 = tpu.memref_slice %arg2[%add3A_82, %dma_start3A_85] : memref<320000x128xf32, #tpu.memory_space<hbm>> -> memref<128x128xf32, #tpu.memory_space<hbm>>
      tpu.enqueue_dma source(%dma_start3A_86 : memref<128x128xf32, #tpu.memory_space<hbm>>) target(%arg10 : memref<128x128xf32, #tpu.memory_space<vmem>>) target_semaphore(%arg13 : memref<!tpu.dma_semaphore, #tpu.memory_space<semaphore_mem>>)
      %dma_wait3A = arith.constant 0 : i32
      %dma_wait3A_87 = tpu.memref_slice %arg2[%mul3A_77, %dma_wait3A] : memref<320000x128xf32, #tpu.memory_space<hbm>> -> memref<128x128xf32, #tpu.memory_space<hbm>>
      %dma_wait3A_88 = arith.constant 0 : i32
      %dma_wait3A_89 = tpu.memref_slice %arg2[%mul3A_77, %dma_wait3A_88] : memref<320000x128xf32, #tpu.memory_space<hbm>> -> memref<128x128xf32, #tpu.memory_space<hbm>>
      tpu.wait_dma2 semaphore(%arg12 : memref<!tpu.dma_semaphore, #tpu.memory_space<semaphore_mem>>) src(%dma_wait3A_89 : memref<128x128xf32, #tpu.memory_space<hbm>>) dst(%arg9 : memref<128x128xf32, #tpu.memory_space<vmem>>)
      %mul3A_90 = arith.constant 2 : i32
      %mul3A_91 = arith.muli %mul3A_90, %while3A_72 : i32
      %dma_start3A_92 = arith.constant 0 : i32
      %dma_start3A_93 = tpu.memref_slice %arg8[%mul3A_91, %dma_start3A_92] : memref<80x128xi32, #tpu.memory_space<vmem>> -> memref<1x128xi32, #tpu.memory_space<vmem>>
      %dma_start3A_94 = tpu.memref_squeeze %dma_start3A_93 : memref<1x128xi32, #tpu.memory_space<vmem>> -> memref<128xi32, #tpu.memory_space<vmem>>
      %dma_start3A_95 = arith.constant 0 : i32
      %dma_start3A_96 = arith.constant 0 : i32
      %dma_start3A_97 = tpu.memref_slice %arg11[%dma_start3A_95, %dma_start3A_96] : memref<10112x128xf32, #tpu.memory_space<vmem_shared>> -> memref<10112x128xf32, #tpu.memory_space<vmem_shared>>
      tpu.enqueue_indirect_dma source(%arg9 : memref<128x128xf32, #tpu.memory_space<vmem>>) target(%dma_start3A_97 : memref<10112x128xf32, #tpu.memory_space<vmem_shared>>) offsets(%dma_start3A_94 : memref<128xi32, #tpu.memory_space<vmem>>) semaphore(%arg12 : memref<!tpu.dma_semaphore, #tpu.memory_space<semaphore_mem>>) {add = true}
      %dma_wait3A_98 = arith.constant 0 : i32
      %dma_wait3A_99 = tpu.memref_slice %arg2[%add3A_82, %dma_wait3A_98] : memref<320000x128xf32, #tpu.memory_space<hbm>> -> memref<128x128xf32, #tpu.memory_space<hbm>>
      %dma_wait3A_100 = arith.constant 0 : i32
      %dma_wait3A_101 = tpu.memref_slice %arg2[%add3A_82, %dma_wait3A_100] : memref<320000x128xf32, #tpu.memory_space<hbm>> -> memref<128x128xf32, #tpu.memory_space<hbm>>
      tpu.wait_dma2 semaphore(%arg13 : memref<!tpu.dma_semaphore, #tpu.memory_space<semaphore_mem>>) src(%dma_wait3A_101 : memref<128x128xf32, #tpu.memory_space<hbm>>) dst(%arg10 : memref<128x128xf32, #tpu.memory_space<vmem>>)
      %mul3A_102 = arith.constant 2 : i32
      %mul3A_103 = arith.muli %mul3A_102, %while3A_72 : i32
      %add3A_104 = arith.constant 1 : i32
      %add3A_105 = arith.addi %mul3A_103, %add3A_104 : i32
      %dma_start3A_106 = arith.constant 0 : i32
      %dma_start3A_107 = tpu.memref_slice %arg8[%add3A_105, %dma_start3A_106] : memref<80x128xi32, #tpu.memory_space<vmem>> -> memref<1x128xi32, #tpu.memory_space<vmem>>
      %dma_start3A_108 = tpu.memref_squeeze %dma_start3A_107 : memref<1x128xi32, #tpu.memory_space<vmem>> -> memref<128xi32, #tpu.memory_space<vmem>>
      %dma_start3A_109 = arith.constant 0 : i32
      %dma_start3A_110 = arith.constant 0 : i32
      %dma_start3A_111 = tpu.memref_slice %arg11[%dma_start3A_109, %dma_start3A_110] : memref<10112x128xf32, #tpu.memory_space<vmem_shared>> -> memref<10112x128xf32, #tpu.memory_space<vmem_shared>>
      tpu.enqueue_indirect_dma source(%arg10 : memref<128x128xf32, #tpu.memory_space<vmem>>) target(%dma_start3A_111 : memref<10112x128xf32, #tpu.memory_space<vmem_shared>>) offsets(%dma_start3A_108 : memref<128xi32, #tpu.memory_space<vmem>>) semaphore(%arg13 : memref<!tpu.dma_semaphore, #tpu.memory_space<semaphore_mem>>) {add = true}
      %dma_wait3A_112 = arith.constant 0 : i32
      %dma_wait3A_113 = tpu.memref_slice %arg8[%mul3A_91, %dma_wait3A_112] : memref<80x128xi32, #tpu.memory_space<vmem>> -> memref<1x128xi32, #tpu.memory_space<vmem>>
      %dma_wait3A_114 = tpu.memref_squeeze %dma_wait3A_113 : memref<1x128xi32, #tpu.memory_space<vmem>> -> memref<128xi32, #tpu.memory_space<vmem>>
      %dma_wait3A_115 = arith.constant 0 : i32
      %dma_wait3A_116 = arith.constant 0 : i32
      %dma_wait3A_117 = tpu.memref_slice %arg11[%dma_wait3A_115, %dma_wait3A_116] : memref<10112x128xf32, #tpu.memory_space<vmem_shared>> -> memref<10112x128xf32, #tpu.memory_space<vmem_shared>>
      tpu.wait_indirect_dma semaphore(%arg12 : memref<!tpu.dma_semaphore, #tpu.memory_space<semaphore_mem>>) src(%arg9 : memref<128x128xf32, #tpu.memory_space<vmem>>) dst(%dma_wait3A_117 : memref<10112x128xf32, #tpu.memory_space<vmem_shared>>)
      %dma_wait3A_118 = arith.constant 0 : i32
      %dma_wait3A_119 = tpu.memref_slice %arg8[%add3A_105, %dma_wait3A_118] : memref<80x128xi32, #tpu.memory_space<vmem>> -> memref<1x128xi32, #tpu.memory_space<vmem>>
      %dma_wait3A_120 = tpu.memref_squeeze %dma_wait3A_119 : memref<1x128xi32, #tpu.memory_space<vmem>> -> memref<128xi32, #tpu.memory_space<vmem>>
      %dma_wait3A_121 = arith.constant 0 : i32
      %dma_wait3A_122 = arith.constant 0 : i32
      %dma_wait3A_123 = tpu.memref_slice %arg11[%dma_wait3A_121, %dma_wait3A_122] : memref<10112x128xf32, #tpu.memory_space<vmem_shared>> -> memref<10112x128xf32, #tpu.memory_space<vmem_shared>>
      tpu.wait_indirect_dma semaphore(%arg13 : memref<!tpu.dma_semaphore, #tpu.memory_space<semaphore_mem>>) src(%arg10 : memref<128x128xf32, #tpu.memory_space<vmem>>) dst(%dma_wait3A_123 : memref<10112x128xf32, #tpu.memory_space<vmem_shared>>)
    }
    %barrier3A_33 = arith.constant 0 : index
    tpu.barrier barrier_id(%barrier3A_33)
    "tpu.region"() ({
      %run_scoped3A = tpu.sem_alloc : memref<!tpu.dma_semaphore, #tpu.memory_space<semaphore_mem>>
      %dma_start3A = arith.constant 0 : i32
      %dma_start3A_72 = tpu.memref_slice %arg6[%arg0, %mul3A_6, %dma_start3A] : memref<2x10112x128xf32, #tpu.memory_space<hbm>> -> memref<1x632x128xf32, #tpu.memory_space<hbm>>
      %dma_start3A_73 = tpu.memref_squeeze %dma_start3A_72 : memref<1x632x128xf32, #tpu.memory_space<hbm>> -> memref<632x128xf32, #tpu.memory_space<hbm>>
      %dma_start3A_74 = arith.constant 0 : i32
      %dma_start3A_75 = tpu.memref_slice %arg11[%mul3A_6, %dma_start3A_74] : memref<10112x128xf32, #tpu.memory_space<vmem_shared>> -> memref<632x128xf32, #tpu.memory_space<vmem_shared>>
      tpu.enqueue_dma source(%dma_start3A_75 : memref<632x128xf32, #tpu.memory_space<vmem_shared>>) target(%dma_start3A_73 : memref<632x128xf32, #tpu.memory_space<hbm>>) target_semaphore(%run_scoped3A : memref<!tpu.dma_semaphore, #tpu.memory_space<semaphore_mem>>)
      %dma_wait3A = arith.constant 0 : i32
      %dma_wait3A_76 = tpu.memref_slice %arg6[%arg0, %mul3A_6, %dma_wait3A] : memref<2x10112x128xf32, #tpu.memory_space<hbm>> -> memref<1x632x128xf32, #tpu.memory_space<hbm>>
      %dma_wait3A_77 = tpu.memref_squeeze %dma_wait3A_76 : memref<1x632x128xf32, #tpu.memory_space<hbm>> -> memref<632x128xf32, #tpu.memory_space<hbm>>
      %dma_wait3A_78 = arith.constant 0 : i32
      %dma_wait3A_79 = tpu.memref_slice %arg11[%mul3A_6, %dma_wait3A_78] : memref<10112x128xf32, #tpu.memory_space<vmem_shared>> -> memref<632x128xf32, #tpu.memory_space<vmem_shared>>
      tpu.wait_dma2 semaphore(%run_scoped3A : memref<!tpu.dma_semaphore, #tpu.memory_space<semaphore_mem>>) src(%dma_wait3A_79 : memref<632x128xf32, #tpu.memory_space<vmem_shared>>) dst(%dma_wait3A_77 : memref<632x128xf32, #tpu.memory_space<hbm>>)
      tpu.yield
    }) : () -> ()
    %barrier3A_34 = arith.constant 0 : index
    tpu.barrier barrier_id(%barrier3A_34)
    "tpu.region"() ({
      %run_scoped3A = tpu.sem_alloc : memref<!tpu.dma_semaphore, #tpu.memory_space<semaphore_mem>>
      %dma_start3A = arith.constant 0 : i32
      %dma_start3A_72 = tpu.memref_slice %arg11[%mul3A_6, %dma_start3A] : memref<10112x128xf32, #tpu.memory_space<vmem_shared>> -> memref<632x128xf32, #tpu.memory_space<vmem_shared>>
      %dma_start3A_73 = arith.constant 0 : i32
      %dma_start3A_74 = tpu.memref_slice %arg5[%mul3A_6, %dma_start3A_73] : memref<10112x128xf32, #tpu.memory_space<hbm>> -> memref<632x128xf32, #tpu.memory_space<hbm>>
      tpu.enqueue_dma source(%dma_start3A_74 : memref<632x128xf32, #tpu.memory_space<hbm>>) target(%dma_start3A_72 : memref<632x128xf32, #tpu.memory_space<vmem_shared>>) target_semaphore(%run_scoped3A : memref<!tpu.dma_semaphore, #tpu.memory_space<semaphore_mem>>)
      %dma_wait3A = arith.constant 0 : i32
      %dma_wait3A_75 = tpu.memref_slice %arg11[%mul3A_6, %dma_wait3A] : memref<10112x128xf32, #tpu.memory_space<vmem_shared>> -> memref<632x128xf32, #tpu.memory_space<vmem_shared>>
      %dma_wait3A_76 = arith.constant 0 : i32
      %dma_wait3A_77 = tpu.memref_slice %arg5[%mul3A_6, %dma_wait3A_76] : memref<10112x128xf32, #tpu.memory_space<hbm>> -> memref<632x128xf32, #tpu.memory_space<hbm>>
      tpu.wait_dma2 semaphore(%run_scoped3A : memref<!tpu.dma_semaphore, #tpu.memory_space<semaphore_mem>>) src(%dma_wait3A_77 : memref<632x128xf32, #tpu.memory_space<hbm>>) dst(%dma_wait3A_75 : memref<632x128xf32, #tpu.memory_space<vmem_shared>>)
      tpu.yield
    }) : () -> ()
    %barrier3A_35 = arith.constant 0 : index
    tpu.barrier barrier_id(%barrier3A_35)
    %jit3A_36 = arith.constant 2 : i32
    %div3A_37 = arith.divsi %min3A_4, %jit3A_36 : i32
    %sign3A_38 = arith.constant 0 : i32
    %sign3A_39 = arith.cmpi sgt, %min3A_4, %sign3A_38 : i32
    %sign3A_40 = arith.extui %sign3A_39 : i1 to i32
    %sign3A_41 = arith.constant 0 : i32
    %sign3A_42 = arith.cmpi slt, %min3A_4, %sign3A_41 : i32
    %sign3A_43 = arith.extui %sign3A_42 : i1 to i32
    %sign3A_44 = arith.subi %sign3A_40, %sign3A_43 : i32
    %sign3A_45 = arith.constant 0 : i32
    %sign3A_46 = arith.cmpi sgt, %jit3A_36, %sign3A_45 : i32
    %sign3A_47 = arith.extui %sign3A_46 : i1 to i32
    %sign3A_48 = arith.constant 0 : i32
    %sign3A_49 = arith.cmpi slt, %jit3A_36, %sign3A_48 : i32
    %sign3A_50 = arith.extui %sign3A_49 : i1 to i32
    %sign3A_51 = arith.subi %sign3A_47, %sign3A_50 : i32
    %ne3A_52 = arith.cmpi ne, %sign3A_44, %sign3A_51 : i32
    %rem3A_53 = arith.remsi %min3A_4, %jit3A_36 : i32
    %ne3A_54 = arith.constant 0 : i32
    %ne3A_55 = arith.cmpi ne, %rem3A_53, %ne3A_54 : i32
    %and3A_56 = arith.andi %ne3A_52, %ne3A_55 : i1
    %sub3A_57 = arith.constant 1 : i32
    %sub3A_58 = arith.subi %div3A_37, %sub3A_57 : i32
    %select_n3A_59 = arith.select %and3A_56, %sub3A_58, %div3A_37 : i32
    %while3A_60 = arith.constant 0 : i32
    %while3A_61 = arith.constant 0 : i32
    %while3A_62 = arith.subi %select_n3A_59, %while3A_61 : i32
    %while3A_63 = arith.addi %while3A_61, %while3A_62 : i32
    %while3A_64 = arith.constant 1 : i32
    %while3A_65 = arith.divsi %while3A_62, %while3A_64 : i32
    %while3A_66 = arith.muli %while3A_65, %while3A_64 : i32
    %while3A_67 = arith.addi %while3A_61, %while3A_66 : i32
    %while3A_68 = arith.constant 1 : i32
    scf.for %while3A_72 = %while3A_61 to %while3A_67 step %while3A_68  : i32 {
      %mul3A_73 = arith.constant 2 : i32
      %mul3A_74 = arith.muli %mul3A_73, %while3A_72 : i32
      %add3A_75 = arith.addi %mul3A_2, %mul3A_74 : i32
      %mul3A_76 = arith.constant 128 : i32
      %mul3A_77 = arith.muli %add3A_75, %mul3A_76 : i32
      %dma_start3A = arith.constant 0 : i32
      %dma_start3A_78 = tpu.memref_slice %arg3[%mul3A_77, %dma_start3A] : memref<320000x128xf32, #tpu.memory_space<hbm>> -> memref<128x128xf32, #tpu.memory_space<hbm>>
      %dma_start3A_79 = arith.constant 0 : i32
      %dma_start3A_80 = tpu.memref_slice %arg3[%mul3A_77, %dma_start3A_79] : memref<320000x128xf32, #tpu.memory_space<hbm>> -> memref<128x128xf32, #tpu.memory_space<hbm>>
      tpu.enqueue_dma source(%dma_start3A_80 : memref<128x128xf32, #tpu.memory_space<hbm>>) target(%arg9 : memref<128x128xf32, #tpu.memory_space<vmem>>) target_semaphore(%arg12 : memref<!tpu.dma_semaphore, #tpu.memory_space<semaphore_mem>>)
      %add3A_81 = arith.constant 128 : i32
      %add3A_82 = arith.addi %mul3A_77, %add3A_81 : i32
      %dma_start3A_83 = arith.constant 0 : i32
      %dma_start3A_84 = tpu.memref_slice %arg3[%add3A_82, %dma_start3A_83] : memref<320000x128xf32, #tpu.memory_space<hbm>> -> memref<128x128xf32, #tpu.memory_space<hbm>>
      %dma_start3A_85 = arith.constant 0 : i32
      %dma_start3A_86 = tpu.memref_slice %arg3[%add3A_82, %dma_start3A_85] : memref<320000x128xf32, #tpu.memory_space<hbm>> -> memref<128x128xf32, #tpu.memory_space<hbm>>
      tpu.enqueue_dma source(%dma_start3A_86 : memref<128x128xf32, #tpu.memory_space<hbm>>) target(%arg10 : memref<128x128xf32, #tpu.memory_space<vmem>>) target_semaphore(%arg13 : memref<!tpu.dma_semaphore, #tpu.memory_space<semaphore_mem>>)
      %dma_wait3A = arith.constant 0 : i32
      %dma_wait3A_87 = tpu.memref_slice %arg3[%mul3A_77, %dma_wait3A] : memref<320000x128xf32, #tpu.memory_space<hbm>> -> memref<128x128xf32, #tpu.memory_space<hbm>>
      %dma_wait3A_88 = arith.constant 0 : i32
      %dma_wait3A_89 = tpu.memref_slice %arg3[%mul3A_77, %dma_wait3A_88] : memref<320000x128xf32, #tpu.memory_space<hbm>> -> memref<128x128xf32, #tpu.memory_space<hbm>>
      tpu.wait_dma2 semaphore(%arg12 : memref<!tpu.dma_semaphore, #tpu.memory_space<semaphore_mem>>) src(%dma_wait3A_89 : memref<128x128xf32, #tpu.memory_space<hbm>>) dst(%arg9 : memref<128x128xf32, #tpu.memory_space<vmem>>)
      %mul3A_90 = arith.constant 2 : i32
      %mul3A_91 = arith.muli %mul3A_90, %while3A_72 : i32
      %dma_start3A_92 = arith.constant 0 : i32
      %dma_start3A_93 = tpu.memref_slice %arg8[%mul3A_91, %dma_start3A_92] : memref<80x128xi32, #tpu.memory_space<vmem>> -> memref<1x128xi32, #tpu.memory_space<vmem>>
      %dma_start3A_94 = tpu.memref_squeeze %dma_start3A_93 : memref<1x128xi32, #tpu.memory_space<vmem>> -> memref<128xi32, #tpu.memory_space<vmem>>
      %dma_start3A_95 = arith.constant 0 : i32
      %dma_start3A_96 = arith.constant 0 : i32
      %dma_start3A_97 = tpu.memref_slice %arg11[%dma_start3A_95, %dma_start3A_96] : memref<10112x128xf32, #tpu.memory_space<vmem_shared>> -> memref<10112x128xf32, #tpu.memory_space<vmem_shared>>
      tpu.enqueue_indirect_dma source(%arg9 : memref<128x128xf32, #tpu.memory_space<vmem>>) target(%dma_start3A_97 : memref<10112x128xf32, #tpu.memory_space<vmem_shared>>) offsets(%dma_start3A_94 : memref<128xi32, #tpu.memory_space<vmem>>) semaphore(%arg12 : memref<!tpu.dma_semaphore, #tpu.memory_space<semaphore_mem>>) {add = true}
      %dma_wait3A_98 = arith.constant 0 : i32
      %dma_wait3A_99 = tpu.memref_slice %arg3[%add3A_82, %dma_wait3A_98] : memref<320000x128xf32, #tpu.memory_space<hbm>> -> memref<128x128xf32, #tpu.memory_space<hbm>>
      %dma_wait3A_100 = arith.constant 0 : i32
      %dma_wait3A_101 = tpu.memref_slice %arg3[%add3A_82, %dma_wait3A_100] : memref<320000x128xf32, #tpu.memory_space<hbm>> -> memref<128x128xf32, #tpu.memory_space<hbm>>
      tpu.wait_dma2 semaphore(%arg13 : memref<!tpu.dma_semaphore, #tpu.memory_space<semaphore_mem>>) src(%dma_wait3A_101 : memref<128x128xf32, #tpu.memory_space<hbm>>) dst(%arg10 : memref<128x128xf32, #tpu.memory_space<vmem>>)
      %mul3A_102 = arith.constant 2 : i32
      %mul3A_103 = arith.muli %mul3A_102, %while3A_72 : i32
      %add3A_104 = arith.constant 1 : i32
      %add3A_105 = arith.addi %mul3A_103, %add3A_104 : i32
      %dma_start3A_106 = arith.constant 0 : i32
      %dma_start3A_107 = tpu.memref_slice %arg8[%add3A_105, %dma_start3A_106] : memref<80x128xi32, #tpu.memory_space<vmem>> -> memref<1x128xi32, #tpu.memory_space<vmem>>
      %dma_start3A_108 = tpu.memref_squeeze %dma_start3A_107 : memref<1x128xi32, #tpu.memory_space<vmem>> -> memref<128xi32, #tpu.memory_space<vmem>>
      %dma_start3A_109 = arith.constant 0 : i32
      %dma_start3A_110 = arith.constant 0 : i32
      %dma_start3A_111 = tpu.memref_slice %arg11[%dma_start3A_109, %dma_start3A_110] : memref<10112x128xf32, #tpu.memory_space<vmem_shared>> -> memref<10112x128xf32, #tpu.memory_space<vmem_shared>>
      tpu.enqueue_indirect_dma source(%arg10 : memref<128x128xf32, #tpu.memory_space<vmem>>) target(%dma_start3A_111 : memref<10112x128xf32, #tpu.memory_space<vmem_shared>>) offsets(%dma_start3A_108 : memref<128xi32, #tpu.memory_space<vmem>>) semaphore(%arg13 : memref<!tpu.dma_semaphore, #tpu.memory_space<semaphore_mem>>) {add = true}
      %dma_wait3A_112 = arith.constant 0 : i32
      %dma_wait3A_113 = tpu.memref_slice %arg8[%mul3A_91, %dma_wait3A_112] : memref<80x128xi32, #tpu.memory_space<vmem>> -> memref<1x128xi32, #tpu.memory_space<vmem>>
      %dma_wait3A_114 = tpu.memref_squeeze %dma_wait3A_113 : memref<1x128xi32, #tpu.memory_space<vmem>> -> memref<128xi32, #tpu.memory_space<vmem>>
      %dma_wait3A_115 = arith.constant 0 : i32
      %dma_wait3A_116 = arith.constant 0 : i32
      %dma_wait3A_117 = tpu.memref_slice %arg11[%dma_wait3A_115, %dma_wait3A_116] : memref<10112x128xf32, #tpu.memory_space<vmem_shared>> -> memref<10112x128xf32, #tpu.memory_space<vmem_shared>>
      tpu.wait_indirect_dma semaphore(%arg12 : memref<!tpu.dma_semaphore, #tpu.memory_space<semaphore_mem>>) src(%arg9 : memref<128x128xf32, #tpu.memory_space<vmem>>) dst(%dma_wait3A_117 : memref<10112x128xf32, #tpu.memory_space<vmem_shared>>)
      %dma_wait3A_118 = arith.constant 0 : i32
      %dma_wait3A_119 = tpu.memref_slice %arg8[%add3A_105, %dma_wait3A_118] : memref<80x128xi32, #tpu.memory_space<vmem>> -> memref<1x128xi32, #tpu.memory_space<vmem>>
      %dma_wait3A_120 = tpu.memref_squeeze %dma_wait3A_119 : memref<1x128xi32, #tpu.memory_space<vmem>> -> memref<128xi32, #tpu.memory_space<vmem>>
      %dma_wait3A_121 = arith.constant 0 : i32
      %dma_wait3A_122 = arith.constant 0 : i32
      %dma_wait3A_123 = tpu.memref_slice %arg11[%dma_wait3A_121, %dma_wait3A_122] : memref<10112x128xf32, #tpu.memory_space<vmem_shared>> -> memref<10112x128xf32, #tpu.memory_space<vmem_shared>>
      tpu.wait_indirect_dma semaphore(%arg13 : memref<!tpu.dma_semaphore, #tpu.memory_space<semaphore_mem>>) src(%arg10 : memref<128x128xf32, #tpu.memory_space<vmem>>) dst(%dma_wait3A_123 : memref<10112x128xf32, #tpu.memory_space<vmem_shared>>)
    }
    %while3A_69 = arith.constant 1 : i32
    scf.for %while3A_72 = %while3A_67 to %while3A_63 step %while3A_69  : i32 {
      %mul3A_73 = arith.constant 2 : i32
      %mul3A_74 = arith.muli %mul3A_73, %while3A_72 : i32
      %add3A_75 = arith.addi %mul3A_2, %mul3A_74 : i32
      %mul3A_76 = arith.constant 128 : i32
      %mul3A_77 = arith.muli %add3A_75, %mul3A_76 : i32
      %dma_start3A = arith.constant 0 : i32
      %dma_start3A_78 = tpu.memref_slice %arg3[%mul3A_77, %dma_start3A] : memref<320000x128xf32, #tpu.memory_space<hbm>> -> memref<128x128xf32, #tpu.memory_space<hbm>>
      %dma_start3A_79 = arith.constant 0 : i32
      %dma_start3A_80 = tpu.memref_slice %arg3[%mul3A_77, %dma_start3A_79] : memref<320000x128xf32, #tpu.memory_space<hbm>> -> memref<128x128xf32, #tpu.memory_space<hbm>>
      tpu.enqueue_dma source(%dma_start3A_80 : memref<128x128xf32, #tpu.memory_space<hbm>>) target(%arg9 : memref<128x128xf32, #tpu.memory_space<vmem>>) target_semaphore(%arg12 : memref<!tpu.dma_semaphore, #tpu.memory_space<semaphore_mem>>)
      %add3A_81 = arith.constant 128 : i32
      %add3A_82 = arith.addi %mul3A_77, %add3A_81 : i32
      %dma_start3A_83 = arith.constant 0 : i32
      %dma_start3A_84 = tpu.memref_slice %arg3[%add3A_82, %dma_start3A_83] : memref<320000x128xf32, #tpu.memory_space<hbm>> -> memref<128x128xf32, #tpu.memory_space<hbm>>
      %dma_start3A_85 = arith.constant 0 : i32
      %dma_start3A_86 = tpu.memref_slice %arg3[%add3A_82, %dma_start3A_85] : memref<320000x128xf32, #tpu.memory_space<hbm>> -> memref<128x128xf32, #tpu.memory_space<hbm>>
      tpu.enqueue_dma source(%dma_start3A_86 : memref<128x128xf32, #tpu.memory_space<hbm>>) target(%arg10 : memref<128x128xf32, #tpu.memory_space<vmem>>) target_semaphore(%arg13 : memref<!tpu.dma_semaphore, #tpu.memory_space<semaphore_mem>>)
      %dma_wait3A = arith.constant 0 : i32
      %dma_wait3A_87 = tpu.memref_slice %arg3[%mul3A_77, %dma_wait3A] : memref<320000x128xf32, #tpu.memory_space<hbm>> -> memref<128x128xf32, #tpu.memory_space<hbm>>
      %dma_wait3A_88 = arith.constant 0 : i32
      %dma_wait3A_89 = tpu.memref_slice %arg3[%mul3A_77, %dma_wait3A_88] : memref<320000x128xf32, #tpu.memory_space<hbm>> -> memref<128x128xf32, #tpu.memory_space<hbm>>
      tpu.wait_dma2 semaphore(%arg12 : memref<!tpu.dma_semaphore, #tpu.memory_space<semaphore_mem>>) src(%dma_wait3A_89 : memref<128x128xf32, #tpu.memory_space<hbm>>) dst(%arg9 : memref<128x128xf32, #tpu.memory_space<vmem>>)
      %mul3A_90 = arith.constant 2 : i32
      %mul3A_91 = arith.muli %mul3A_90, %while3A_72 : i32
      %dma_start3A_92 = arith.constant 0 : i32
      %dma_start3A_93 = tpu.memref_slice %arg8[%mul3A_91, %dma_start3A_92] : memref<80x128xi32, #tpu.memory_space<vmem>> -> memref<1x128xi32, #tpu.memory_space<vmem>>
      %dma_start3A_94 = tpu.memref_squeeze %dma_start3A_93 : memref<1x128xi32, #tpu.memory_space<vmem>> -> memref<128xi32, #tpu.memory_space<vmem>>
      %dma_start3A_95 = arith.constant 0 : i32
      %dma_start3A_96 = arith.constant 0 : i32
      %dma_start3A_97 = tpu.memref_slice %arg11[%dma_start3A_95, %dma_start3A_96] : memref<10112x128xf32, #tpu.memory_space<vmem_shared>> -> memref<10112x128xf32, #tpu.memory_space<vmem_shared>>
      tpu.enqueue_indirect_dma source(%arg9 : memref<128x128xf32, #tpu.memory_space<vmem>>) target(%dma_start3A_97 : memref<10112x128xf32, #tpu.memory_space<vmem_shared>>) offsets(%dma_start3A_94 : memref<128xi32, #tpu.memory_space<vmem>>) semaphore(%arg12 : memref<!tpu.dma_semaphore, #tpu.memory_space<semaphore_mem>>) {add = true}
      %dma_wait3A_98 = arith.constant 0 : i32
      %dma_wait3A_99 = tpu.memref_slice %arg3[%add3A_82, %dma_wait3A_98] : memref<320000x128xf32, #tpu.memory_space<hbm>> -> memref<128x128xf32, #tpu.memory_space<hbm>>
      %dma_wait3A_100 = arith.constant 0 : i32
      %dma_wait3A_101 = tpu.memref_slice %arg3[%add3A_82, %dma_wait3A_100] : memref<320000x128xf32, #tpu.memory_space<hbm>> -> memref<128x128xf32, #tpu.memory_space<hbm>>
      tpu.wait_dma2 semaphore(%arg13 : memref<!tpu.dma_semaphore, #tpu.memory_space<semaphore_mem>>) src(%dma_wait3A_101 : memref<128x128xf32, #tpu.memory_space<hbm>>) dst(%arg10 : memref<128x128xf32, #tpu.memory_space<vmem>>)
      %mul3A_102 = arith.constant 2 : i32
      %mul3A_103 = arith.muli %mul3A_102, %while3A_72 : i32
      %add3A_104 = arith.constant 1 : i32
      %add3A_105 = arith.addi %mul3A_103, %add3A_104 : i32
      %dma_start3A_106 = arith.constant 0 : i32
      %dma_start3A_107 = tpu.memref_slice %arg8[%add3A_105, %dma_start3A_106] : memref<80x128xi32, #tpu.memory_space<vmem>> -> memref<1x128xi32, #tpu.memory_space<vmem>>
      %dma_start3A_108 = tpu.memref_squeeze %dma_start3A_107 : memref<1x128xi32, #tpu.memory_space<vmem>> -> memref<128xi32, #tpu.memory_space<vmem>>
      %dma_start3A_109 = arith.constant 0 : i32
      %dma_start3A_110 = arith.constant 0 : i32
      %dma_start3A_111 = tpu.memref_slice %arg11[%dma_start3A_109, %dma_start3A_110] : memref<10112x128xf32, #tpu.memory_space<vmem_shared>> -> memref<10112x128xf32, #tpu.memory_space<vmem_shared>>
      tpu.enqueue_indirect_dma source(%arg10 : memref<128x128xf32, #tpu.memory_space<vmem>>) target(%dma_start3A_111 : memref<10112x128xf32, #tpu.memory_space<vmem_shared>>) offsets(%dma_start3A_108 : memref<128xi32, #tpu.memory_space<vmem>>) semaphore(%arg13 : memref<!tpu.dma_semaphore, #tpu.memory_space<semaphore_mem>>) {add = true}
      %dma_wait3A_112 = arith.constant 0 : i32
      %dma_wait3A_113 = tpu.memref_slice %arg8[%mul3A_91, %dma_wait3A_112] : memref<80x128xi32, #tpu.memory_space<vmem>> -> memref<1x128xi32, #tpu.memory_space<vmem>>
      %dma_wait3A_114 = tpu.memref_squeeze %dma_wait3A_113 : memref<1x128xi32, #tpu.memory_space<vmem>> -> memref<128xi32, #tpu.memory_space<vmem>>
      %dma_wait3A_115 = arith.constant 0 : i32
      %dma_wait3A_116 = arith.constant 0 : i32
      %dma_wait3A_117 = tpu.memref_slice %arg11[%dma_wait3A_115, %dma_wait3A_116] : memref<10112x128xf32, #tpu.memory_space<vmem_shared>> -> memref<10112x128xf32, #tpu.memory_space<vmem_shared>>
      tpu.wait_indirect_dma semaphore(%arg12 : memref<!tpu.dma_semaphore, #tpu.memory_space<semaphore_mem>>) src(%arg9 : memref<128x128xf32, #tpu.memory_space<vmem>>) dst(%dma_wait3A_117 : memref<10112x128xf32, #tpu.memory_space<vmem_shared>>)
      %dma_wait3A_118 = arith.constant 0 : i32
      %dma_wait3A_119 = tpu.memref_slice %arg8[%add3A_105, %dma_wait3A_118] : memref<80x128xi32, #tpu.memory_space<vmem>> -> memref<1x128xi32, #tpu.memory_space<vmem>>
      %dma_wait3A_120 = tpu.memref_squeeze %dma_wait3A_119 : memref<1x128xi32, #tpu.memory_space<vmem>> -> memref<128xi32, #tpu.memory_space<vmem>>
      %dma_wait3A_121 = arith.constant 0 : i32
      %dma_wait3A_122 = arith.constant 0 : i32
      %dma_wait3A_123 = tpu.memref_slice %arg11[%dma_wait3A_121, %dma_wait3A_122] : memref<10112x128xf32, #tpu.memory_space<vmem_shared>> -> memref<10112x128xf32, #tpu.memory_space<vmem_shared>>
      tpu.wait_indirect_dma semaphore(%arg13 : memref<!tpu.dma_semaphore, #tpu.memory_space<semaphore_mem>>) src(%arg10 : memref<128x128xf32, #tpu.memory_space<vmem>>) dst(%dma_wait3A_123 : memref<10112x128xf32, #tpu.memory_space<vmem_shared>>)
    }
    %barrier3A_70 = arith.constant 0 : index
    tpu.barrier barrier_id(%barrier3A_70)
    "tpu.region"() ({
      %run_scoped3A = tpu.sem_alloc : memref<!tpu.dma_semaphore, #tpu.memory_space<semaphore_mem>>
      %dma_start3A = arith.constant 0 : i32
      %dma_start3A_72 = tpu.memref_slice %arg7[%arg0, %mul3A_6, %dma_start3A] : memref<2x10112x128xf32, #tpu.memory_space<hbm>> -> memref<1x632x128xf32, #tpu.memory_space<hbm>>
      %dma_start3A_73 = tpu.memref_squeeze %dma_start3A_72 : memref<1x632x128xf32, #tpu.memory_space<hbm>> -> memref<632x128xf32, #tpu.memory_space<hbm>>
      %dma_start3A_74 = arith.constant 0 : i32
      %dma_start3A_75 = tpu.memref_slice %arg11[%mul3A_6, %dma_start3A_74] : memref<10112x128xf32, #tpu.memory_space<vmem_shared>> -> memref<632x128xf32, #tpu.memory_space<vmem_shared>>
      tpu.enqueue_dma source(%dma_start3A_75 : memref<632x128xf32, #tpu.memory_space<vmem_shared>>) target(%dma_start3A_73 : memref<632x128xf32, #tpu.memory_space<hbm>>) target_semaphore(%run_scoped3A : memref<!tpu.dma_semaphore, #tpu.memory_space<semaphore_mem>>)
      %dma_wait3A = arith.constant 0 : i32
      %dma_wait3A_76 = tpu.memref_slice %arg7[%arg0, %mul3A_6, %dma_wait3A] : memref<2x10112x128xf32, #tpu.memory_space<hbm>> -> memref<1x632x128xf32, #tpu.memory_space<hbm>>
      %dma_wait3A_77 = tpu.memref_squeeze %dma_wait3A_76 : memref<1x632x128xf32, #tpu.memory_space<hbm>> -> memref<632x128xf32, #tpu.memory_space<hbm>>
      %dma_wait3A_78 = arith.constant 0 : i32
      %dma_wait3A_79 = tpu.memref_slice %arg11[%mul3A_6, %dma_wait3A_78] : memref<10112x128xf32, #tpu.memory_space<vmem_shared>> -> memref<632x128xf32, #tpu.memory_space<vmem_shared>>
      tpu.wait_dma2 semaphore(%run_scoped3A : memref<!tpu.dma_semaphore, #tpu.memory_space<semaphore_mem>>) src(%dma_wait3A_79 : memref<632x128xf32, #tpu.memory_space<vmem_shared>>) dst(%dma_wait3A_77 : memref<632x128xf32, #tpu.memory_space<hbm>>)
      tpu.yield
    }) : () -> ()
    %barrier3A_71 = arith.constant 0 : index
    tpu.barrier barrier_id(%barrier3A_71)
    return
  }
}

#map = affine_map<(d0, d1) -> (0, 0)>
module attributes {stable_mosaic.version = 14 : i64} {
  func.func @_gather_body(%arg0: i32, %arg1: i32, %arg2: memref<10000x128xf32, #tpu.memory_space<hbm>>, %arg3: memref<10000x128xi32, #tpu.memory_space<hbm>>, %arg4: memref<2560x128xi32, #tpu.memory_space<hbm>>, %arg5: memref<2560x128xi32, #tpu.memory_space<hbm>>, %arg6: memref<320000x128xf32, #tpu.memory_space<hbm>>, %arg7: memref<320000x128xi32, #tpu.memory_space<hbm>>, %arg8: memref<80x128xi32, #tpu.memory_space<vmem>>, %arg9: memref<80x128xi32, #tpu.memory_space<vmem>>, %arg10: memref<128x128xf32, #tpu.memory_space<vmem>>, %arg11: memref<128x128xi32, #tpu.memory_space<vmem>>, %arg12: memref<128x128xf32, #tpu.memory_space<vmem>>, %arg13: memref<128x128xi32, #tpu.memory_space<vmem>>, %arg14: memref<!tpu.dma_semaphore, #tpu.memory_space<semaphore_mem>>, %arg15: memref<!tpu.dma_semaphore, #tpu.memory_space<semaphore_mem>>, %arg16: memref<!tpu.dma_semaphore, #tpu.memory_space<semaphore_mem>>, %arg17: memref<!tpu.dma_semaphore, #tpu.memory_space<semaphore_mem>>) attributes {dimension_semantics = [#tpu.dimension_semantics<core_parallel>, #tpu.dimension_semantics<subcore_parallel>], iteration_bounds = array<i64: 2, 16>, scalar_prefetch = 0 : i64, scratch_operands = 10 : i64, tpu.core_type = #tpu.core_type<sc_vector_subcore>, window_params = [{transform_indices = #map}, {transform_indices = #map}, {transform_indices = #map}, {transform_indices = #map}, {transform_indices = #map}, {transform_indices = #map}]} {
    %mul3A = arith.constant 16 : i32
    %mul3A_0 = arith.muli %arg0, %mul3A : i32
    %add3A = arith.addi %mul3A_0, %arg1 : i32
    %mul3A_1 = arith.constant 80 : i32
    %mul3A_2 = arith.muli %add3A, %mul3A_1 : i32
    %sub3A = arith.constant 2500 : i32
    %sub3A_3 = arith.subi %sub3A, %mul3A_2 : i32
    %min3A = arith.constant 80 : i32
    %min3A_4 = arith.minsi %min3A, %sub3A_3 : i32
    "tpu.region"() ({
      %run_scoped3A = tpu.sem_alloc : memref<!tpu.dma_semaphore, #tpu.memory_space<semaphore_mem>>
      %dma_start3A = arith.constant 0 : i32
      %dma_start3A_31 = tpu.memref_slice %arg4[%mul3A_2, %dma_start3A] : memref<2560x128xi32, #tpu.memory_space<hbm>> -> memref<80x128xi32, #tpu.memory_space<hbm>>
      %dma_start3A_32 = arith.constant 0 : i32
      %dma_start3A_33 = tpu.memref_slice %arg4[%mul3A_2, %dma_start3A_32] : memref<2560x128xi32, #tpu.memory_space<hbm>> -> memref<80x128xi32, #tpu.memory_space<hbm>>
      tpu.enqueue_dma source(%dma_start3A_33 : memref<80x128xi32, #tpu.memory_space<hbm>>) target(%arg8 : memref<80x128xi32, #tpu.memory_space<vmem>>) target_semaphore(%run_scoped3A : memref<!tpu.dma_semaphore, #tpu.memory_space<semaphore_mem>>)
      %dma_wait3A = arith.constant 0 : i32
      %dma_wait3A_34 = tpu.memref_slice %arg4[%mul3A_2, %dma_wait3A] : memref<2560x128xi32, #tpu.memory_space<hbm>> -> memref<80x128xi32, #tpu.memory_space<hbm>>
      %dma_wait3A_35 = arith.constant 0 : i32
      %dma_wait3A_36 = tpu.memref_slice %arg4[%mul3A_2, %dma_wait3A_35] : memref<2560x128xi32, #tpu.memory_space<hbm>> -> memref<80x128xi32, #tpu.memory_space<hbm>>
      tpu.wait_dma2 semaphore(%run_scoped3A : memref<!tpu.dma_semaphore, #tpu.memory_space<semaphore_mem>>) src(%dma_wait3A_36 : memref<80x128xi32, #tpu.memory_space<hbm>>) dst(%arg8 : memref<80x128xi32, #tpu.memory_space<vmem>>)
      tpu.yield
    }) : () -> ()
    "tpu.region"() ({
      %run_scoped3A = tpu.sem_alloc : memref<!tpu.dma_semaphore, #tpu.memory_space<semaphore_mem>>
      %dma_start3A = arith.constant 0 : i32
      %dma_start3A_31 = tpu.memref_slice %arg5[%mul3A_2, %dma_start3A] : memref<2560x128xi32, #tpu.memory_space<hbm>> -> memref<80x128xi32, #tpu.memory_space<hbm>>
      %dma_start3A_32 = arith.constant 0 : i32
      %dma_start3A_33 = tpu.memref_slice %arg5[%mul3A_2, %dma_start3A_32] : memref<2560x128xi32, #tpu.memory_space<hbm>> -> memref<80x128xi32, #tpu.memory_space<hbm>>
      tpu.enqueue_dma source(%dma_start3A_33 : memref<80x128xi32, #tpu.memory_space<hbm>>) target(%arg9 : memref<80x128xi32, #tpu.memory_space<vmem>>) target_semaphore(%run_scoped3A : memref<!tpu.dma_semaphore, #tpu.memory_space<semaphore_mem>>)
      %dma_wait3A = arith.constant 0 : i32
      %dma_wait3A_34 = tpu.memref_slice %arg5[%mul3A_2, %dma_wait3A] : memref<2560x128xi32, #tpu.memory_space<hbm>> -> memref<80x128xi32, #tpu.memory_space<hbm>>
      %dma_wait3A_35 = arith.constant 0 : i32
      %dma_wait3A_36 = tpu.memref_slice %arg5[%mul3A_2, %dma_wait3A_35] : memref<2560x128xi32, #tpu.memory_space<hbm>> -> memref<80x128xi32, #tpu.memory_space<hbm>>
      tpu.wait_dma2 semaphore(%run_scoped3A : memref<!tpu.dma_semaphore, #tpu.memory_space<semaphore_mem>>) src(%dma_wait3A_36 : memref<80x128xi32, #tpu.memory_space<hbm>>) dst(%arg9 : memref<80x128xi32, #tpu.memory_space<vmem>>)
      tpu.yield
    }) : () -> ()
    %jit3A = arith.constant 2 : i32
    %div3A = arith.divsi %min3A_4, %jit3A : i32
    %sign3A = arith.constant 0 : i32
    %sign3A_5 = arith.cmpi sgt, %min3A_4, %sign3A : i32
    %sign3A_6 = arith.extui %sign3A_5 : i1 to i32
    %sign3A_7 = arith.constant 0 : i32
    %sign3A_8 = arith.cmpi slt, %min3A_4, %sign3A_7 : i32
    %sign3A_9 = arith.extui %sign3A_8 : i1 to i32
    %sign3A_10 = arith.subi %sign3A_6, %sign3A_9 : i32
    %sign3A_11 = arith.constant 0 : i32
    %sign3A_12 = arith.cmpi sgt, %jit3A, %sign3A_11 : i32
    %sign3A_13 = arith.extui %sign3A_12 : i1 to i32
    %sign3A_14 = arith.constant 0 : i32
    %sign3A_15 = arith.cmpi slt, %jit3A, %sign3A_14 : i32
    %sign3A_16 = arith.extui %sign3A_15 : i1 to i32
    %sign3A_17 = arith.subi %sign3A_13, %sign3A_16 : i32
    %ne3A = arith.cmpi ne, %sign3A_10, %sign3A_17 : i32
    %rem3A = arith.remsi %min3A_4, %jit3A : i32
    %ne3A_18 = arith.constant 0 : i32
    %ne3A_19 = arith.cmpi ne, %rem3A, %ne3A_18 : i32
    %and3A = arith.andi %ne3A, %ne3A_19 : i1
    %sub3A_20 = arith.constant 1 : i32
    %sub3A_21 = arith.subi %div3A, %sub3A_20 : i32
    %select_n3A = arith.select %and3A, %sub3A_21, %div3A : i32
    %while3A = arith.constant 0 : i32
    %while3A_22 = arith.constant 0 : i32
    %while3A_23 = arith.subi %select_n3A, %while3A_22 : i32
    %while3A_24 = arith.addi %while3A_22, %while3A_23 : i32
    %while3A_25 = arith.constant 1 : i32
    %while3A_26 = arith.divsi %while3A_23, %while3A_25 : i32
    %while3A_27 = arith.muli %while3A_26, %while3A_25 : i32
    %while3A_28 = arith.addi %while3A_22, %while3A_27 : i32
    %while3A_29 = arith.constant 1 : i32
    scf.for %while3A_31 = %while3A_22 to %while3A_28 step %while3A_29  : i32 {
      %mul3A_32 = arith.constant 2 : i32
      %mul3A_33 = arith.muli %mul3A_32, %while3A_31 : i32
      %add3A_34 = arith.addi %mul3A_2, %mul3A_33 : i32
      %mul3A_35 = arith.constant 128 : i32
      %mul3A_36 = arith.muli %add3A_34, %mul3A_35 : i32
      %dma_start3A = arith.constant 0 : i32
      %dma_start3A_37 = tpu.memref_slice %arg8[%mul3A_33, %dma_start3A] : memref<80x128xi32, #tpu.memory_space<vmem>> -> memref<1x128xi32, #tpu.memory_space<vmem>>
      %dma_start3A_38 = tpu.memref_squeeze %dma_start3A_37 : memref<1x128xi32, #tpu.memory_space<vmem>> -> memref<128xi32, #tpu.memory_space<vmem>>
      %dma_start3A_39 = arith.constant 0 : i32
      %dma_start3A_40 = arith.constant 0 : i32
      %dma_start3A_41 = tpu.memref_slice %arg2[%dma_start3A_39, %dma_start3A_40] : memref<10000x128xf32, #tpu.memory_space<hbm>> -> memref<10000x128xf32, #tpu.memory_space<hbm>>
      tpu.enqueue_indirect_dma source(%dma_start3A_41 : memref<10000x128xf32, #tpu.memory_space<hbm>>) target(%arg10 : memref<128x128xf32, #tpu.memory_space<vmem>>) offsets(%dma_start3A_38 : memref<128xi32, #tpu.memory_space<vmem>>) semaphore(%arg14 : memref<!tpu.dma_semaphore, #tpu.memory_space<semaphore_mem>>)
      %dma_start3A_42 = arith.constant 0 : i32
      %dma_start3A_43 = tpu.memref_slice %arg9[%mul3A_33, %dma_start3A_42] : memref<80x128xi32, #tpu.memory_space<vmem>> -> memref<1x128xi32, #tpu.memory_space<vmem>>
      %dma_start3A_44 = tpu.memref_squeeze %dma_start3A_43 : memref<1x128xi32, #tpu.memory_space<vmem>> -> memref<128xi32, #tpu.memory_space<vmem>>
      %dma_start3A_45 = arith.constant 0 : i32
      %dma_start3A_46 = arith.constant 0 : i32
      %dma_start3A_47 = tpu.memref_slice %arg3[%dma_start3A_45, %dma_start3A_46] : memref<10000x128xi32, #tpu.memory_space<hbm>> -> memref<10000x128xi32, #tpu.memory_space<hbm>>
      tpu.enqueue_indirect_dma source(%dma_start3A_47 : memref<10000x128xi32, #tpu.memory_space<hbm>>) target(%arg11 : memref<128x128xi32, #tpu.memory_space<vmem>>) offsets(%dma_start3A_44 : memref<128xi32, #tpu.memory_space<vmem>>) semaphore(%arg15 : memref<!tpu.dma_semaphore, #tpu.memory_space<semaphore_mem>>)
      %add3A_48 = arith.constant 1 : i32
      %add3A_49 = arith.addi %mul3A_33, %add3A_48 : i32
      %dma_start3A_50 = arith.constant 0 : i32
      %dma_start3A_51 = tpu.memref_slice %arg8[%add3A_49, %dma_start3A_50] : memref<80x128xi32, #tpu.memory_space<vmem>> -> memref<1x128xi32, #tpu.memory_space<vmem>>
      %dma_start3A_52 = tpu.memref_squeeze %dma_start3A_51 : memref<1x128xi32, #tpu.memory_space<vmem>> -> memref<128xi32, #tpu.memory_space<vmem>>
      %dma_start3A_53 = arith.constant 0 : i32
      %dma_start3A_54 = arith.constant 0 : i32
      %dma_start3A_55 = tpu.memref_slice %arg2[%dma_start3A_53, %dma_start3A_54] : memref<10000x128xf32, #tpu.memory_space<hbm>> -> memref<10000x128xf32, #tpu.memory_space<hbm>>
      tpu.enqueue_indirect_dma source(%dma_start3A_55 : memref<10000x128xf32, #tpu.memory_space<hbm>>) target(%arg12 : memref<128x128xf32, #tpu.memory_space<vmem>>) offsets(%dma_start3A_52 : memref<128xi32, #tpu.memory_space<vmem>>) semaphore(%arg16 : memref<!tpu.dma_semaphore, #tpu.memory_space<semaphore_mem>>)
      %add3A_56 = arith.constant 1 : i32
      %add3A_57 = arith.addi %mul3A_33, %add3A_56 : i32
      %dma_start3A_58 = arith.constant 0 : i32
      %dma_start3A_59 = tpu.memref_slice %arg9[%add3A_57, %dma_start3A_58] : memref<80x128xi32, #tpu.memory_space<vmem>> -> memref<1x128xi32, #tpu.memory_space<vmem>>
      %dma_start3A_60 = tpu.memref_squeeze %dma_start3A_59 : memref<1x128xi32, #tpu.memory_space<vmem>> -> memref<128xi32, #tpu.memory_space<vmem>>
      %dma_start3A_61 = arith.constant 0 : i32
      %dma_start3A_62 = arith.constant 0 : i32
      %dma_start3A_63 = tpu.memref_slice %arg3[%dma_start3A_61, %dma_start3A_62] : memref<10000x128xi32, #tpu.memory_space<hbm>> -> memref<10000x128xi32, #tpu.memory_space<hbm>>
      tpu.enqueue_indirect_dma source(%dma_start3A_63 : memref<10000x128xi32, #tpu.memory_space<hbm>>) target(%arg13 : memref<128x128xi32, #tpu.memory_space<vmem>>) offsets(%dma_start3A_60 : memref<128xi32, #tpu.memory_space<vmem>>) semaphore(%arg17 : memref<!tpu.dma_semaphore, #tpu.memory_space<semaphore_mem>>)
      %dma_wait3A = arith.constant 0 : i32
      %dma_wait3A_64 = tpu.memref_slice %arg8[%mul3A_33, %dma_wait3A] : memref<80x128xi32, #tpu.memory_space<vmem>> -> memref<1x128xi32, #tpu.memory_space<vmem>>
      %dma_wait3A_65 = tpu.memref_squeeze %dma_wait3A_64 : memref<1x128xi32, #tpu.memory_space<vmem>> -> memref<128xi32, #tpu.memory_space<vmem>>
      %dma_wait3A_66 = arith.constant 0 : i32
      %dma_wait3A_67 = arith.constant 0 : i32
      %dma_wait3A_68 = tpu.memref_slice %arg2[%dma_wait3A_66, %dma_wait3A_67] : memref<10000x128xf32, #tpu.memory_space<hbm>> -> memref<10000x128xf32, #tpu.memory_space<hbm>>
      tpu.wait_indirect_dma semaphore(%arg14 : memref<!tpu.dma_semaphore, #tpu.memory_space<semaphore_mem>>) src(%dma_wait3A_68 : memref<10000x128xf32, #tpu.memory_space<hbm>>) dst(%arg10 : memref<128x128xf32, #tpu.memory_space<vmem>>)
      %dma_start3A_69 = arith.constant 0 : i32
      %dma_start3A_70 = tpu.memref_slice %arg6[%mul3A_36, %dma_start3A_69] : memref<320000x128xf32, #tpu.memory_space<hbm>> -> memref<128x128xf32, #tpu.memory_space<hbm>>
      %dma_start3A_71 = arith.constant 0 : i32
      %dma_start3A_72 = tpu.memref_slice %arg6[%mul3A_36, %dma_start3A_71] : memref<320000x128xf32, #tpu.memory_space<hbm>> -> memref<128x128xf32, #tpu.memory_space<hbm>>
      tpu.enqueue_dma source(%arg10 : memref<128x128xf32, #tpu.memory_space<vmem>>) target(%dma_start3A_72 : memref<128x128xf32, #tpu.memory_space<hbm>>) target_semaphore(%arg14 : memref<!tpu.dma_semaphore, #tpu.memory_space<semaphore_mem>>)
      %dma_wait3A_73 = arith.constant 0 : i32
      %dma_wait3A_74 = tpu.memref_slice %arg9[%mul3A_33, %dma_wait3A_73] : memref<80x128xi32, #tpu.memory_space<vmem>> -> memref<1x128xi32, #tpu.memory_space<vmem>>
      %dma_wait3A_75 = tpu.memref_squeeze %dma_wait3A_74 : memref<1x128xi32, #tpu.memory_space<vmem>> -> memref<128xi32, #tpu.memory_space<vmem>>
      %dma_wait3A_76 = arith.constant 0 : i32
      %dma_wait3A_77 = arith.constant 0 : i32
      %dma_wait3A_78 = tpu.memref_slice %arg3[%dma_wait3A_76, %dma_wait3A_77] : memref<10000x128xi32, #tpu.memory_space<hbm>> -> memref<10000x128xi32, #tpu.memory_space<hbm>>
      tpu.wait_indirect_dma semaphore(%arg15 : memref<!tpu.dma_semaphore, #tpu.memory_space<semaphore_mem>>) src(%dma_wait3A_78 : memref<10000x128xi32, #tpu.memory_space<hbm>>) dst(%arg11 : memref<128x128xi32, #tpu.memory_space<vmem>>)
      %dma_start3A_79 = arith.constant 0 : i32
      %dma_start3A_80 = tpu.memref_slice %arg7[%mul3A_36, %dma_start3A_79] : memref<320000x128xi32, #tpu.memory_space<hbm>> -> memref<128x128xi32, #tpu.memory_space<hbm>>
      %dma_start3A_81 = arith.constant 0 : i32
      %dma_start3A_82 = tpu.memref_slice %arg7[%mul3A_36, %dma_start3A_81] : memref<320000x128xi32, #tpu.memory_space<hbm>> -> memref<128x128xi32, #tpu.memory_space<hbm>>
      tpu.enqueue_dma source(%arg11 : memref<128x128xi32, #tpu.memory_space<vmem>>) target(%dma_start3A_82 : memref<128x128xi32, #tpu.memory_space<hbm>>) target_semaphore(%arg15 : memref<!tpu.dma_semaphore, #tpu.memory_space<semaphore_mem>>)
      %dma_wait3A_83 = arith.constant 0 : i32
      %dma_wait3A_84 = tpu.memref_slice %arg8[%add3A_49, %dma_wait3A_83] : memref<80x128xi32, #tpu.memory_space<vmem>> -> memref<1x128xi32, #tpu.memory_space<vmem>>
      %dma_wait3A_85 = tpu.memref_squeeze %dma_wait3A_84 : memref<1x128xi32, #tpu.memory_space<vmem>> -> memref<128xi32, #tpu.memory_space<vmem>>
      %dma_wait3A_86 = arith.constant 0 : i32
      %dma_wait3A_87 = arith.constant 0 : i32
      %dma_wait3A_88 = tpu.memref_slice %arg2[%dma_wait3A_86, %dma_wait3A_87] : memref<10000x128xf32, #tpu.memory_space<hbm>> -> memref<10000x128xf32, #tpu.memory_space<hbm>>
      tpu.wait_indirect_dma semaphore(%arg16 : memref<!tpu.dma_semaphore, #tpu.memory_space<semaphore_mem>>) src(%dma_wait3A_88 : memref<10000x128xf32, #tpu.memory_space<hbm>>) dst(%arg12 : memref<128x128xf32, #tpu.memory_space<vmem>>)
      %add3A_89 = arith.constant 128 : i32
      %add3A_90 = arith.addi %mul3A_36, %add3A_89 : i32
      %dma_start3A_91 = arith.constant 0 : i32
      %dma_start3A_92 = tpu.memref_slice %arg6[%add3A_90, %dma_start3A_91] : memref<320000x128xf32, #tpu.memory_space<hbm>> -> memref<128x128xf32, #tpu.memory_space<hbm>>
      %dma_start3A_93 = arith.constant 0 : i32
      %dma_start3A_94 = tpu.memref_slice %arg6[%add3A_90, %dma_start3A_93] : memref<320000x128xf32, #tpu.memory_space<hbm>> -> memref<128x128xf32, #tpu.memory_space<hbm>>
      tpu.enqueue_dma source(%arg12 : memref<128x128xf32, #tpu.memory_space<vmem>>) target(%dma_start3A_94 : memref<128x128xf32, #tpu.memory_space<hbm>>) target_semaphore(%arg16 : memref<!tpu.dma_semaphore, #tpu.memory_space<semaphore_mem>>)
      %dma_wait3A_95 = arith.constant 0 : i32
      %dma_wait3A_96 = tpu.memref_slice %arg9[%add3A_57, %dma_wait3A_95] : memref<80x128xi32, #tpu.memory_space<vmem>> -> memref<1x128xi32, #tpu.memory_space<vmem>>
      %dma_wait3A_97 = tpu.memref_squeeze %dma_wait3A_96 : memref<1x128xi32, #tpu.memory_space<vmem>> -> memref<128xi32, #tpu.memory_space<vmem>>
      %dma_wait3A_98 = arith.constant 0 : i32
      %dma_wait3A_99 = arith.constant 0 : i32
      %dma_wait3A_100 = tpu.memref_slice %arg3[%dma_wait3A_98, %dma_wait3A_99] : memref<10000x128xi32, #tpu.memory_space<hbm>> -> memref<10000x128xi32, #tpu.memory_space<hbm>>
      tpu.wait_indirect_dma semaphore(%arg17 : memref<!tpu.dma_semaphore, #tpu.memory_space<semaphore_mem>>) src(%dma_wait3A_100 : memref<10000x128xi32, #tpu.memory_space<hbm>>) dst(%arg13 : memref<128x128xi32, #tpu.memory_space<vmem>>)
      %add3A_101 = arith.constant 128 : i32
      %add3A_102 = arith.addi %mul3A_36, %add3A_101 : i32
      %dma_start3A_103 = arith.constant 0 : i32
      %dma_start3A_104 = tpu.memref_slice %arg7[%add3A_102, %dma_start3A_103] : memref<320000x128xi32, #tpu.memory_space<hbm>> -> memref<128x128xi32, #tpu.memory_space<hbm>>
      %dma_start3A_105 = arith.constant 0 : i32
      %dma_start3A_106 = tpu.memref_slice %arg7[%add3A_102, %dma_start3A_105] : memref<320000x128xi32, #tpu.memory_space<hbm>> -> memref<128x128xi32, #tpu.memory_space<hbm>>
      tpu.enqueue_dma source(%arg13 : memref<128x128xi32, #tpu.memory_space<vmem>>) target(%dma_start3A_106 : memref<128x128xi32, #tpu.memory_space<hbm>>) target_semaphore(%arg17 : memref<!tpu.dma_semaphore, #tpu.memory_space<semaphore_mem>>)
      %dma_wait3A_107 = arith.constant 0 : i32
      %dma_wait3A_108 = tpu.memref_slice %arg6[%mul3A_36, %dma_wait3A_107] : memref<320000x128xf32, #tpu.memory_space<hbm>> -> memref<128x128xf32, #tpu.memory_space<hbm>>
      %dma_wait3A_109 = arith.constant 0 : i32
      %dma_wait3A_110 = tpu.memref_slice %arg6[%mul3A_36, %dma_wait3A_109] : memref<320000x128xf32, #tpu.memory_space<hbm>> -> memref<128x128xf32, #tpu.memory_space<hbm>>
      tpu.wait_dma2 semaphore(%arg14 : memref<!tpu.dma_semaphore, #tpu.memory_space<semaphore_mem>>) src(%arg10 : memref<128x128xf32, #tpu.memory_space<vmem>>) dst(%dma_wait3A_110 : memref<128x128xf32, #tpu.memory_space<hbm>>)
      %dma_wait3A_111 = arith.constant 0 : i32
      %dma_wait3A_112 = tpu.memref_slice %arg7[%mul3A_36, %dma_wait3A_111] : memref<320000x128xi32, #tpu.memory_space<hbm>> -> memref<128x128xi32, #tpu.memory_space<hbm>>
      %dma_wait3A_113 = arith.constant 0 : i32
      %dma_wait3A_114 = tpu.memref_slice %arg7[%mul3A_36, %dma_wait3A_113] : memref<320000x128xi32, #tpu.memory_space<hbm>> -> memref<128x128xi32, #tpu.memory_space<hbm>>
      tpu.wait_dma2 semaphore(%arg15 : memref<!tpu.dma_semaphore, #tpu.memory_space<semaphore_mem>>) src(%arg11 : memref<128x128xi32, #tpu.memory_space<vmem>>) dst(%dma_wait3A_114 : memref<128x128xi32, #tpu.memory_space<hbm>>)
      %dma_wait3A_115 = arith.constant 0 : i32
      %dma_wait3A_116 = tpu.memref_slice %arg6[%add3A_90, %dma_wait3A_115] : memref<320000x128xf32, #tpu.memory_space<hbm>> -> memref<128x128xf32, #tpu.memory_space<hbm>>
      %dma_wait3A_117 = arith.constant 0 : i32
      %dma_wait3A_118 = tpu.memref_slice %arg6[%add3A_90, %dma_wait3A_117] : memref<320000x128xf32, #tpu.memory_space<hbm>> -> memref<128x128xf32, #tpu.memory_space<hbm>>
      tpu.wait_dma2 semaphore(%arg16 : memref<!tpu.dma_semaphore, #tpu.memory_space<semaphore_mem>>) src(%arg12 : memref<128x128xf32, #tpu.memory_space<vmem>>) dst(%dma_wait3A_118 : memref<128x128xf32, #tpu.memory_space<hbm>>)
      %dma_wait3A_119 = arith.constant 0 : i32
      %dma_wait3A_120 = tpu.memref_slice %arg7[%add3A_102, %dma_wait3A_119] : memref<320000x128xi32, #tpu.memory_space<hbm>> -> memref<128x128xi32, #tpu.memory_space<hbm>>
      %dma_wait3A_121 = arith.constant 0 : i32
      %dma_wait3A_122 = tpu.memref_slice %arg7[%add3A_102, %dma_wait3A_121] : memref<320000x128xi32, #tpu.memory_space<hbm>> -> memref<128x128xi32, #tpu.memory_space<hbm>>
      tpu.wait_dma2 semaphore(%arg17 : memref<!tpu.dma_semaphore, #tpu.memory_space<semaphore_mem>>) src(%arg13 : memref<128x128xi32, #tpu.memory_space<vmem>>) dst(%dma_wait3A_122 : memref<128x128xi32, #tpu.memory_space<hbm>>)
    }
    %while3A_30 = arith.constant 1 : i32
    scf.for %while3A_31 = %while3A_28 to %while3A_24 step %while3A_30  : i32 {
      %mul3A_32 = arith.constant 2 : i32
      %mul3A_33 = arith.muli %mul3A_32, %while3A_31 : i32
      %add3A_34 = arith.addi %mul3A_2, %mul3A_33 : i32
      %mul3A_35 = arith.constant 128 : i32
      %mul3A_36 = arith.muli %add3A_34, %mul3A_35 : i32
      %dma_start3A = arith.constant 0 : i32
      %dma_start3A_37 = tpu.memref_slice %arg8[%mul3A_33, %dma_start3A] : memref<80x128xi32, #tpu.memory_space<vmem>> -> memref<1x128xi32, #tpu.memory_space<vmem>>
      %dma_start3A_38 = tpu.memref_squeeze %dma_start3A_37 : memref<1x128xi32, #tpu.memory_space<vmem>> -> memref<128xi32, #tpu.memory_space<vmem>>
      %dma_start3A_39 = arith.constant 0 : i32
      %dma_start3A_40 = arith.constant 0 : i32
      %dma_start3A_41 = tpu.memref_slice %arg2[%dma_start3A_39, %dma_start3A_40] : memref<10000x128xf32, #tpu.memory_space<hbm>> -> memref<10000x128xf32, #tpu.memory_space<hbm>>
      tpu.enqueue_indirect_dma source(%dma_start3A_41 : memref<10000x128xf32, #tpu.memory_space<hbm>>) target(%arg10 : memref<128x128xf32, #tpu.memory_space<vmem>>) offsets(%dma_start3A_38 : memref<128xi32, #tpu.memory_space<vmem>>) semaphore(%arg14 : memref<!tpu.dma_semaphore, #tpu.memory_space<semaphore_mem>>)
      %dma_start3A_42 = arith.constant 0 : i32
      %dma_start3A_43 = tpu.memref_slice %arg9[%mul3A_33, %dma_start3A_42] : memref<80x128xi32, #tpu.memory_space<vmem>> -> memref<1x128xi32, #tpu.memory_space<vmem>>
      %dma_start3A_44 = tpu.memref_squeeze %dma_start3A_43 : memref<1x128xi32, #tpu.memory_space<vmem>> -> memref<128xi32, #tpu.memory_space<vmem>>
      %dma_start3A_45 = arith.constant 0 : i32
      %dma_start3A_46 = arith.constant 0 : i32
      %dma_start3A_47 = tpu.memref_slice %arg3[%dma_start3A_45, %dma_start3A_46] : memref<10000x128xi32, #tpu.memory_space<hbm>> -> memref<10000x128xi32, #tpu.memory_space<hbm>>
      tpu.enqueue_indirect_dma source(%dma_start3A_47 : memref<10000x128xi32, #tpu.memory_space<hbm>>) target(%arg11 : memref<128x128xi32, #tpu.memory_space<vmem>>) offsets(%dma_start3A_44 : memref<128xi32, #tpu.memory_space<vmem>>) semaphore(%arg15 : memref<!tpu.dma_semaphore, #tpu.memory_space<semaphore_mem>>)
      %add3A_48 = arith.constant 1 : i32
      %add3A_49 = arith.addi %mul3A_33, %add3A_48 : i32
      %dma_start3A_50 = arith.constant 0 : i32
      %dma_start3A_51 = tpu.memref_slice %arg8[%add3A_49, %dma_start3A_50] : memref<80x128xi32, #tpu.memory_space<vmem>> -> memref<1x128xi32, #tpu.memory_space<vmem>>
      %dma_start3A_52 = tpu.memref_squeeze %dma_start3A_51 : memref<1x128xi32, #tpu.memory_space<vmem>> -> memref<128xi32, #tpu.memory_space<vmem>>
      %dma_start3A_53 = arith.constant 0 : i32
      %dma_start3A_54 = arith.constant 0 : i32
      %dma_start3A_55 = tpu.memref_slice %arg2[%dma_start3A_53, %dma_start3A_54] : memref<10000x128xf32, #tpu.memory_space<hbm>> -> memref<10000x128xf32, #tpu.memory_space<hbm>>
      tpu.enqueue_indirect_dma source(%dma_start3A_55 : memref<10000x128xf32, #tpu.memory_space<hbm>>) target(%arg12 : memref<128x128xf32, #tpu.memory_space<vmem>>) offsets(%dma_start3A_52 : memref<128xi32, #tpu.memory_space<vmem>>) semaphore(%arg16 : memref<!tpu.dma_semaphore, #tpu.memory_space<semaphore_mem>>)
      %add3A_56 = arith.constant 1 : i32
      %add3A_57 = arith.addi %mul3A_33, %add3A_56 : i32
      %dma_start3A_58 = arith.constant 0 : i32
      %dma_start3A_59 = tpu.memref_slice %arg9[%add3A_57, %dma_start3A_58] : memref<80x128xi32, #tpu.memory_space<vmem>> -> memref<1x128xi32, #tpu.memory_space<vmem>>
      %dma_start3A_60 = tpu.memref_squeeze %dma_start3A_59 : memref<1x128xi32, #tpu.memory_space<vmem>> -> memref<128xi32, #tpu.memory_space<vmem>>
      %dma_start3A_61 = arith.constant 0 : i32
      %dma_start3A_62 = arith.constant 0 : i32
      %dma_start3A_63 = tpu.memref_slice %arg3[%dma_start3A_61, %dma_start3A_62] : memref<10000x128xi32, #tpu.memory_space<hbm>> -> memref<10000x128xi32, #tpu.memory_space<hbm>>
      tpu.enqueue_indirect_dma source(%dma_start3A_63 : memref<10000x128xi32, #tpu.memory_space<hbm>>) target(%arg13 : memref<128x128xi32, #tpu.memory_space<vmem>>) offsets(%dma_start3A_60 : memref<128xi32, #tpu.memory_space<vmem>>) semaphore(%arg17 : memref<!tpu.dma_semaphore, #tpu.memory_space<semaphore_mem>>)
      %dma_wait3A = arith.constant 0 : i32
      %dma_wait3A_64 = tpu.memref_slice %arg8[%mul3A_33, %dma_wait3A] : memref<80x128xi32, #tpu.memory_space<vmem>> -> memref<1x128xi32, #tpu.memory_space<vmem>>
      %dma_wait3A_65 = tpu.memref_squeeze %dma_wait3A_64 : memref<1x128xi32, #tpu.memory_space<vmem>> -> memref<128xi32, #tpu.memory_space<vmem>>
      %dma_wait3A_66 = arith.constant 0 : i32
      %dma_wait3A_67 = arith.constant 0 : i32
      %dma_wait3A_68 = tpu.memref_slice %arg2[%dma_wait3A_66, %dma_wait3A_67] : memref<10000x128xf32, #tpu.memory_space<hbm>> -> memref<10000x128xf32, #tpu.memory_space<hbm>>
      tpu.wait_indirect_dma semaphore(%arg14 : memref<!tpu.dma_semaphore, #tpu.memory_space<semaphore_mem>>) src(%dma_wait3A_68 : memref<10000x128xf32, #tpu.memory_space<hbm>>) dst(%arg10 : memref<128x128xf32, #tpu.memory_space<vmem>>)
      %dma_start3A_69 = arith.constant 0 : i32
      %dma_start3A_70 = tpu.memref_slice %arg6[%mul3A_36, %dma_start3A_69] : memref<320000x128xf32, #tpu.memory_space<hbm>> -> memref<128x128xf32, #tpu.memory_space<hbm>>
      %dma_start3A_71 = arith.constant 0 : i32
      %dma_start3A_72 = tpu.memref_slice %arg6[%mul3A_36, %dma_start3A_71] : memref<320000x128xf32, #tpu.memory_space<hbm>> -> memref<128x128xf32, #tpu.memory_space<hbm>>
      tpu.enqueue_dma source(%arg10 : memref<128x128xf32, #tpu.memory_space<vmem>>) target(%dma_start3A_72 : memref<128x128xf32, #tpu.memory_space<hbm>>) target_semaphore(%arg14 : memref<!tpu.dma_semaphore, #tpu.memory_space<semaphore_mem>>)
      %dma_wait3A_73 = arith.constant 0 : i32
      %dma_wait3A_74 = tpu.memref_slice %arg9[%mul3A_33, %dma_wait3A_73] : memref<80x128xi32, #tpu.memory_space<vmem>> -> memref<1x128xi32, #tpu.memory_space<vmem>>
      %dma_wait3A_75 = tpu.memref_squeeze %dma_wait3A_74 : memref<1x128xi32, #tpu.memory_space<vmem>> -> memref<128xi32, #tpu.memory_space<vmem>>
      %dma_wait3A_76 = arith.constant 0 : i32
      %dma_wait3A_77 = arith.constant 0 : i32
      %dma_wait3A_78 = tpu.memref_slice %arg3[%dma_wait3A_76, %dma_wait3A_77] : memref<10000x128xi32, #tpu.memory_space<hbm>> -> memref<10000x128xi32, #tpu.memory_space<hbm>>
      tpu.wait_indirect_dma semaphore(%arg15 : memref<!tpu.dma_semaphore, #tpu.memory_space<semaphore_mem>>) src(%dma_wait3A_78 : memref<10000x128xi32, #tpu.memory_space<hbm>>) dst(%arg11 : memref<128x128xi32, #tpu.memory_space<vmem>>)
      %dma_start3A_79 = arith.constant 0 : i32
      %dma_start3A_80 = tpu.memref_slice %arg7[%mul3A_36, %dma_start3A_79] : memref<320000x128xi32, #tpu.memory_space<hbm>> -> memref<128x128xi32, #tpu.memory_space<hbm>>
      %dma_start3A_81 = arith.constant 0 : i32
      %dma_start3A_82 = tpu.memref_slice %arg7[%mul3A_36, %dma_start3A_81] : memref<320000x128xi32, #tpu.memory_space<hbm>> -> memref<128x128xi32, #tpu.memory_space<hbm>>
      tpu.enqueue_dma source(%arg11 : memref<128x128xi32, #tpu.memory_space<vmem>>) target(%dma_start3A_82 : memref<128x128xi32, #tpu.memory_space<hbm>>) target_semaphore(%arg15 : memref<!tpu.dma_semaphore, #tpu.memory_space<semaphore_mem>>)
      %dma_wait3A_83 = arith.constant 0 : i32
      %dma_wait3A_84 = tpu.memref_slice %arg8[%add3A_49, %dma_wait3A_83] : memref<80x128xi32, #tpu.memory_space<vmem>> -> memref<1x128xi32, #tpu.memory_space<vmem>>
      %dma_wait3A_85 = tpu.memref_squeeze %dma_wait3A_84 : memref<1x128xi32, #tpu.memory_space<vmem>> -> memref<128xi32, #tpu.memory_space<vmem>>
      %dma_wait3A_86 = arith.constant 0 : i32
      %dma_wait3A_87 = arith.constant 0 : i32
      %dma_wait3A_88 = tpu.memref_slice %arg2[%dma_wait3A_86, %dma_wait3A_87] : memref<10000x128xf32, #tpu.memory_space<hbm>> -> memref<10000x128xf32, #tpu.memory_space<hbm>>
      tpu.wait_indirect_dma semaphore(%arg16 : memref<!tpu.dma_semaphore, #tpu.memory_space<semaphore_mem>>) src(%dma_wait3A_88 : memref<10000x128xf32, #tpu.memory_space<hbm>>) dst(%arg12 : memref<128x128xf32, #tpu.memory_space<vmem>>)
      %add3A_89 = arith.constant 128 : i32
      %add3A_90 = arith.addi %mul3A_36, %add3A_89 : i32
      %dma_start3A_91 = arith.constant 0 : i32
      %dma_start3A_92 = tpu.memref_slice %arg6[%add3A_90, %dma_start3A_91] : memref<320000x128xf32, #tpu.memory_space<hbm>> -> memref<128x128xf32, #tpu.memory_space<hbm>>
      %dma_start3A_93 = arith.constant 0 : i32
      %dma_start3A_94 = tpu.memref_slice %arg6[%add3A_90, %dma_start3A_93] : memref<320000x128xf32, #tpu.memory_space<hbm>> -> memref<128x128xf32, #tpu.memory_space<hbm>>
      tpu.enqueue_dma source(%arg12 : memref<128x128xf32, #tpu.memory_space<vmem>>) target(%dma_start3A_94 : memref<128x128xf32, #tpu.memory_space<hbm>>) target_semaphore(%arg16 : memref<!tpu.dma_semaphore, #tpu.memory_space<semaphore_mem>>)
      %dma_wait3A_95 = arith.constant 0 : i32
      %dma_wait3A_96 = tpu.memref_slice %arg9[%add3A_57, %dma_wait3A_95] : memref<80x128xi32, #tpu.memory_space<vmem>> -> memref<1x128xi32, #tpu.memory_space<vmem>>
      %dma_wait3A_97 = tpu.memref_squeeze %dma_wait3A_96 : memref<1x128xi32, #tpu.memory_space<vmem>> -> memref<128xi32, #tpu.memory_space<vmem>>
      %dma_wait3A_98 = arith.constant 0 : i32
      %dma_wait3A_99 = arith.constant 0 : i32
      %dma_wait3A_100 = tpu.memref_slice %arg3[%dma_wait3A_98, %dma_wait3A_99] : memref<10000x128xi32, #tpu.memory_space<hbm>> -> memref<10000x128xi32, #tpu.memory_space<hbm>>
      tpu.wait_indirect_dma semaphore(%arg17 : memref<!tpu.dma_semaphore, #tpu.memory_space<semaphore_mem>>) src(%dma_wait3A_100 : memref<10000x128xi32, #tpu.memory_space<hbm>>) dst(%arg13 : memref<128x128xi32, #tpu.memory_space<vmem>>)
      %add3A_101 = arith.constant 128 : i32
      %add3A_102 = arith.addi %mul3A_36, %add3A_101 : i32
      %dma_start3A_103 = arith.constant 0 : i32
      %dma_start3A_104 = tpu.memref_slice %arg7[%add3A_102, %dma_start3A_103] : memref<320000x128xi32, #tpu.memory_space<hbm>> -> memref<128x128xi32, #tpu.memory_space<hbm>>
      %dma_start3A_105 = arith.constant 0 : i32
      %dma_start3A_106 = tpu.memref_slice %arg7[%add3A_102, %dma_start3A_105] : memref<320000x128xi32, #tpu.memory_space<hbm>> -> memref<128x128xi32, #tpu.memory_space<hbm>>
      tpu.enqueue_dma source(%arg13 : memref<128x128xi32, #tpu.memory_space<vmem>>) target(%dma_start3A_106 : memref<128x128xi32, #tpu.memory_space<hbm>>) target_semaphore(%arg17 : memref<!tpu.dma_semaphore, #tpu.memory_space<semaphore_mem>>)
      %dma_wait3A_107 = arith.constant 0 : i32
      %dma_wait3A_108 = tpu.memref_slice %arg6[%mul3A_36, %dma_wait3A_107] : memref<320000x128xf32, #tpu.memory_space<hbm>> -> memref<128x128xf32, #tpu.memory_space<hbm>>
      %dma_wait3A_109 = arith.constant 0 : i32
      %dma_wait3A_110 = tpu.memref_slice %arg6[%mul3A_36, %dma_wait3A_109] : memref<320000x128xf32, #tpu.memory_space<hbm>> -> memref<128x128xf32, #tpu.memory_space<hbm>>
      tpu.wait_dma2 semaphore(%arg14 : memref<!tpu.dma_semaphore, #tpu.memory_space<semaphore_mem>>) src(%arg10 : memref<128x128xf32, #tpu.memory_space<vmem>>) dst(%dma_wait3A_110 : memref<128x128xf32, #tpu.memory_space<hbm>>)
      %dma_wait3A_111 = arith.constant 0 : i32
      %dma_wait3A_112 = tpu.memref_slice %arg7[%mul3A_36, %dma_wait3A_111] : memref<320000x128xi32, #tpu.memory_space<hbm>> -> memref<128x128xi32, #tpu.memory_space<hbm>>
      %dma_wait3A_113 = arith.constant 0 : i32
      %dma_wait3A_114 = tpu.memref_slice %arg7[%mul3A_36, %dma_wait3A_113] : memref<320000x128xi32, #tpu.memory_space<hbm>> -> memref<128x128xi32, #tpu.memory_space<hbm>>
      tpu.wait_dma2 semaphore(%arg15 : memref<!tpu.dma_semaphore, #tpu.memory_space<semaphore_mem>>) src(%arg11 : memref<128x128xi32, #tpu.memory_space<vmem>>) dst(%dma_wait3A_114 : memref<128x128xi32, #tpu.memory_space<hbm>>)
      %dma_wait3A_115 = arith.constant 0 : i32
      %dma_wait3A_116 = tpu.memref_slice %arg6[%add3A_90, %dma_wait3A_115] : memref<320000x128xf32, #tpu.memory_space<hbm>> -> memref<128x128xf32, #tpu.memory_space<hbm>>
      %dma_wait3A_117 = arith.constant 0 : i32
      %dma_wait3A_118 = tpu.memref_slice %arg6[%add3A_90, %dma_wait3A_117] : memref<320000x128xf32, #tpu.memory_space<hbm>> -> memref<128x128xf32, #tpu.memory_space<hbm>>
      tpu.wait_dma2 semaphore(%arg16 : memref<!tpu.dma_semaphore, #tpu.memory_space<semaphore_mem>>) src(%arg12 : memref<128x128xf32, #tpu.memory_space<vmem>>) dst(%dma_wait3A_118 : memref<128x128xf32, #tpu.memory_space<hbm>>)
      %dma_wait3A_119 = arith.constant 0 : i32
      %dma_wait3A_120 = tpu.memref_slice %arg7[%add3A_102, %dma_wait3A_119] : memref<320000x128xi32, #tpu.memory_space<hbm>> -> memref<128x128xi32, #tpu.memory_space<hbm>>
      %dma_wait3A_121 = arith.constant 0 : i32
      %dma_wait3A_122 = tpu.memref_slice %arg7[%add3A_102, %dma_wait3A_121] : memref<320000x128xi32, #tpu.memory_space<hbm>> -> memref<128x128xi32, #tpu.memory_space<hbm>>
      tpu.wait_dma2 semaphore(%arg17 : memref<!tpu.dma_semaphore, #tpu.memory_space<semaphore_mem>>) src(%arg13 : memref<128x128xi32, #tpu.memory_space<vmem>>) dst(%dma_wait3A_122 : memref<128x128xi32, #tpu.memory_space<hbm>>)
    }
    return
  }
}

module attributes {stable_mosaic.version = 14 : i64} {
  func.func @_proj_body(%arg0: i32, %arg1: memref<1000x128xf32, #tpu.memory_space<vmem>>, %arg2: memref<128x128xf32, #tpu.memory_space<vmem>>, %arg3: memref<128x128xf32, #tpu.memory_space<vmem>>, %arg4: memref<128x128xf32, #tpu.memory_space<vmem>>, %arg5: memref<1000x128xf32, #tpu.memory_space<vmem>>, %arg6: memref<1000x128xi32, #tpu.memory_space<vmem>>, %arg7: memref<1000x128xf32, #tpu.memory_space<vmem>>) attributes {dimension_semantics = [#tpu.dimension_semantics<arbitrary>], iteration_bounds = array<i64: 10>, scalar_prefetch = 0 : i64, scratch_operands = 0 : i64, tpu.core_type = #tpu.core_type<tc>, window_params = [{transform_indices = @transform_0, window_bounds = array<i64: 1000, 128>}, {pipeline_mode = #tpu.pipeline_mode<synchronous>, transform_indices = @transform_1, window_bounds = array<i64: 128, 128>}, {pipeline_mode = #tpu.pipeline_mode<synchronous>, transform_indices = @transform_2, window_bounds = array<i64: 128, 128>}, {pipeline_mode = #tpu.pipeline_mode<synchronous>, transform_indices = @transform_3, window_bounds = array<i64: 128, 128>}, {transform_indices = @transform_4, window_bounds = array<i64: 1000, 128>}, {transform_indices = @transform_5, window_bounds = array<i64: 1000, 128>}, {transform_indices = @transform_6, window_bounds = array<i64: 1000, 128>}]} {
    %get3A = arith.constant 0 : index
    %get3A_0 = arith.constant 0 : index
    %get3A_1 = vector.load %arg1[%get3A, %get3A_0] : memref<1000x128xf32, #tpu.memory_space<vmem>>, vector<1000x128xf32>
    %get3A_2 = arith.constant 0 : index
    %get3A_3 = arith.constant 0 : index
    %get3A_4 = vector.load %arg2[%get3A_2, %get3A_3] : memref<128x128xf32, #tpu.memory_space<vmem>>, vector<128x128xf32>
    %transpose3A = tpu.transpose %get3A_4, [1, 0] : vector<128x128xf32> -> vector<128x128xf32>
    %dot_general3A = arith.constant dense<0.000000e+00> : vector<1000x128xf32>
    %dot_general3A_5 = tpu.matmul %get3A_1, %transpose3A, %dot_general3A {dimension_numbers = #tpu.dot_dimension_numbers<[1], [0], [0], [1], [0, 0, 1, 1], [], []>, transpose_lhs_hint = false} : vector<1000x128xf32>, vector<128x128xf32>, vector<1000x128xf32> -> vector<1000x128xf32>
    %swap3A = arith.constant 0 : index
    %swap3A_6 = arith.constant 0 : index
    %swap3A_7 = vector.load %arg5[%swap3A, %swap3A_6] : memref<1000x128xf32, #tpu.memory_space<vmem>>, vector<1000x128xf32>
    tpu.vector_store %arg5[%swap3A, %swap3A_6], %dot_general3A_5 {strides = array<i32>} : memref<1000x128xf32, #tpu.memory_space<vmem>>, vector<1000x128xf32>,
    %get3A_8 = arith.constant 0 : index
    %get3A_9 = arith.constant 0 : index
    %get3A_10 = vector.load %arg3[%get3A_8, %get3A_9] : memref<128x128xf32, #tpu.memory_space<vmem>>, vector<128x128xf32>
    %transpose3A_11 = tpu.transpose %get3A_10, [1, 0] : vector<128x128xf32> -> vector<128x128xf32>
    %dot_general3A_12 = arith.constant dense<0.000000e+00> : vector<1000x128xf32>
    %dot_general3A_13 = tpu.matmul %get3A_1, %transpose3A_11, %dot_general3A_12 {dimension_numbers = #tpu.dot_dimension_numbers<[1], [0], [0], [1], [0, 0, 1, 1], [], []>, transpose_lhs_hint = false} : vector<1000x128xf32>, vector<128x128xf32>, vector<1000x128xf32> -> vector<1000x128xf32>
    %mul3A = arith.constant 2.500000e-01 : f32
    %mul3A_14 = vector.broadcast %mul3A : f32 to vector<1000x128xf32>
    %mul3A_15 = arith.mulf %dot_general3A_13, %mul3A_14 : vector<1000x128xf32>
    %get3A_16 = arith.constant 0 : index
    %get3A_17 = arith.constant 0 : index
    %get3A_18 = vector.load %arg4[%get3A_16, %get3A_17] : memref<128x128xf32, #tpu.memory_space<vmem>>, vector<128x128xf32>
    %transpose3A_19 = tpu.transpose %get3A_18, [1, 0] : vector<128x128xf32> -> vector<128x128xf32>
    %dot_general3A_20 = arith.constant dense<0.000000e+00> : vector<1000x128xf32>
    %dot_general3A_21 = tpu.matmul %get3A_1, %transpose3A_19, %dot_general3A_20 {dimension_numbers = #tpu.dot_dimension_numbers<[1], [0], [0], [1], [0, 0, 1, 1], [], []>, transpose_lhs_hint = false} : vector<1000x128xf32>, vector<128x128xf32>, vector<1000x128xf32> -> vector<1000x128xf32>
    %convert_element_type3A = arith.truncf %mul3A_15 : vector<1000x128xf32> to vector<1000x128xbf16>
    %bitcast_convert_type3A = tpu.bitcast %convert_element_type3A : vector<1000x128xbf16> -> vector<1000x128xi16>
    %convert_element_type3A_22 = arith.extui %bitcast_convert_type3A : vector<1000x128xi16> to vector<1000x128xi32>
    %convert_element_type3A_23 = arith.truncf %dot_general3A_21 : vector<1000x128xf32> to vector<1000x128xbf16>
    %bitcast_convert_type3A_24 = tpu.bitcast %convert_element_type3A_23 : vector<1000x128xbf16> -> vector<1000x128xi16>
    %convert_element_type3A_25 = arith.extui %bitcast_convert_type3A_24 : vector<1000x128xi16> to vector<1000x128xi32>
    %shift_left3A = arith.constant 16 : i32
    %shift_left3A_26 = vector.broadcast %shift_left3A : i32 to vector<1000x128xi32>
    %shift_left3A_27 = arith.shli %convert_element_type3A_25, %shift_left3A_26 : vector<1000x128xi32>
    %or3A = arith.ori %convert_element_type3A_22, %shift_left3A_27 : vector<1000x128xi32>
    %bitcast_convert_type3A_28 = tpu.bitcast %or3A : vector<1000x128xi32> -> vector<1000x128xi32>
    %swap3A_29 = arith.constant 0 : index
    %swap3A_30 = arith.constant 0 : index
    %swap3A_31 = vector.load %arg6[%swap3A_29, %swap3A_30] : memref<1000x128xi32, #tpu.memory_space<vmem>>, vector<1000x128xi32>
    tpu.vector_store %arg6[%swap3A_29, %swap3A_30], %bitcast_convert_type3A_28 {strides = array<i32>} : memref<1000x128xi32, #tpu.memory_space<vmem>>, vector<1000x128xi32>,
    %swap3A_32 = arith.constant 0 : index
    %swap3A_33 = arith.constant 0 : index
    %swap3A_34 = vector.load %arg7[%swap3A_32, %swap3A_33] : memref<1000x128xf32, #tpu.memory_space<vmem>>, vector<1000x128xf32>
    tpu.vector_store %arg7[%swap3A_32, %swap3A_33], %dot_general3A_21 {strides = array<i32>} : memref<1000x128xf32, #tpu.memory_space<vmem>>, vector<1000x128xf32>,
    return
  }
  func.func @transform_0(%arg0: i32) -> (i32, i32) {
    %c0_i32 = arith.constant 0 : i32
    %c0_i32_0 = arith.constant 0 : i32
    return %arg0, %c0_i32 : i32, i32
  }
  func.func @transform_1(%arg0: i32) -> (i32, i32) {
    %c0_i32 = arith.constant 0 : i32
    %c0_i32_0 = arith.constant 0 : i32
    %c0_i32_1 = arith.constant 0 : i32
    return %c0_i32, %c0_i32_0 : i32, i32
  }
  func.func @transform_2(%arg0: i32) -> (i32, i32) {
    %c0_i32 = arith.constant 0 : i32
    %c0_i32_0 = arith.constant 0 : i32
    %c0_i32_1 = arith.constant 0 : i32
    return %c0_i32, %c0_i32_0 : i32, i32
  }
  func.func @transform_3(%arg0: i32) -> (i32, i32) {
    %c0_i32 = arith.constant 0 : i32
    %c0_i32_0 = arith.constant 0 : i32
    %c0_i32_1 = arith.constant 0 : i32
    return %c0_i32, %c0_i32_0 : i32, i32
  }
  func.func @transform_4(%arg0: i32) -> (i32, i32) {
    %c0_i32 = arith.constant 0 : i32
    %c0_i32_0 = arith.constant 0 : i32
    return %arg0, %c0_i32 : i32, i32
  }
  func.func @transform_5(%arg0: i32) -> (i32, i32) {
    %c0_i32 = arith.constant 0 : i32
    %c0_i32_0 = arith.constant 0 : i32
    return %arg0, %c0_i32 : i32, i32
  }
  func.func @transform_6(%arg0: i32) -> (i32, i32) {
    %c0_i32 = arith.constant 0 : i32
    %c0_i32_0 = arith.constant 0 : i32
    return %arg0, %c0_i32 : i32, i32
  }
}

module attributes {stable_mosaic.version = 14 : i64} {
  func.func @_edge_body(%arg0: i32, %arg1: memref<2000x128xf32, #tpu.memory_space<vmem>>, %arg2: memref<2000x128xf32, #tpu.memory_space<vmem>>, %arg3: memref<2000x128xi32, #tpu.memory_space<vmem>>, %arg4: memref<128x128xf32, #tpu.memory_space<vmem>>, %arg5: memref<128x128xf32, #tpu.memory_space<vmem>>, %arg6: memref<128x8xf32, #tpu.memory_space<vmem>>, %arg7: memref<8x128xf32, #tpu.memory_space<vmem>>, %arg8: memref<2000x128xf32, #tpu.memory_space<vmem>>, %arg9: memref<2000x128xf32, #tpu.memory_space<vmem>>) attributes {dimension_semantics = [#tpu.dimension_semantics<arbitrary>], iteration_bounds = array<i64: 160>, scalar_prefetch = 0 : i64, scratch_operands = 0 : i64, tpu.core_type = #tpu.core_type<tc>, window_params = [{transform_indices = @transform_0, window_bounds = array<i64: 2000, 128>}, {transform_indices = @transform_1, window_bounds = array<i64: 2000, 128>}, {transform_indices = @transform_2, window_bounds = array<i64: 2000, 128>}, {pipeline_mode = #tpu.pipeline_mode<synchronous>, transform_indices = @transform_3, window_bounds = array<i64: 128, 128>}, {pipeline_mode = #tpu.pipeline_mode<synchronous>, transform_indices = @transform_4, window_bounds = array<i64: 128, 128>}, {pipeline_mode = #tpu.pipeline_mode<synchronous>, transform_indices = @transform_5, window_bounds = array<i64: 128, 8>}, {pipeline_mode = #tpu.pipeline_mode<synchronous>, transform_indices = @transform_6, window_bounds = array<i64: 8, 128>}, {transform_indices = @transform_7, window_bounds = array<i64: 2000, 128>}, {transform_indices = @transform_8, window_bounds = array<i64: 2000, 128>}]} {
    %get3A = arith.constant 0 : index
    %get3A_0 = arith.constant 0 : index
    %get3A_1 = vector.load %arg1[%get3A, %get3A_0] : memref<2000x128xf32, #tpu.memory_space<vmem>>, vector<2000x128xf32>
    %get3A_2 = arith.constant 0 : index
    %get3A_3 = arith.constant 0 : index
    %get3A_4 = vector.load %arg4[%get3A_2, %get3A_3] : memref<128x128xf32, #tpu.memory_space<vmem>>, vector<128x128xf32>
    %transpose3A = tpu.transpose %get3A_4, [1, 0] : vector<128x128xf32> -> vector<128x128xf32>
    %dot_general3A = arith.constant dense<0.000000e+00> : vector<2000x128xf32>
    %dot_general3A_5 = tpu.matmul %get3A_1, %transpose3A, %dot_general3A {dimension_numbers = #tpu.dot_dimension_numbers<[1], [0], [0], [1], [0, 0, 1, 1], [], []>, transpose_lhs_hint = false} : vector<2000x128xf32>, vector<128x128xf32>, vector<2000x128xf32> -> vector<2000x128xf32>
    %mul3A = arith.constant 2.500000e-01 : f32
    %mul3A_6 = vector.broadcast %mul3A : f32 to vector<2000x128xf32>
    %mul3A_7 = arith.mulf %dot_general3A_5, %mul3A_6 : vector<2000x128xf32>
    %get3A_8 = arith.constant 0 : index
    %get3A_9 = arith.constant 0 : index
    %get3A_10 = vector.load %arg5[%get3A_8, %get3A_9] : memref<128x128xf32, #tpu.memory_space<vmem>>, vector<128x128xf32>
    %transpose3A_11 = tpu.transpose %get3A_10, [1, 0] : vector<128x128xf32> -> vector<128x128xf32>
    %dot_general3A_12 = arith.constant dense<0.000000e+00> : vector<2000x128xf32>
    %dot_general3A_13 = tpu.matmul %get3A_1, %transpose3A_11, %dot_general3A_12 {dimension_numbers = #tpu.dot_dimension_numbers<[1], [0], [0], [1], [0, 0, 1, 1], [], []>, transpose_lhs_hint = false} : vector<2000x128xf32>, vector<128x128xf32>, vector<2000x128xf32> -> vector<2000x128xf32>
    %get3A_14 = arith.constant 0 : index
    %get3A_15 = arith.constant 0 : index
    %get3A_16 = vector.load %arg2[%get3A_14, %get3A_15] : memref<2000x128xf32, #tpu.memory_space<vmem>>, vector<2000x128xf32>
    %get3A_17 = arith.constant 0 : index
    %get3A_18 = arith.constant 0 : index
    %get3A_19 = vector.load %arg3[%get3A_17, %get3A_18] : memref<2000x128xi32, #tpu.memory_space<vmem>>, vector<2000x128xi32>
    %bitcast_convert_type3A = tpu.bitcast %get3A_19 : vector<2000x128xi32> -> vector<2000x128xi32>
    %and3A = arith.constant 65535 : i32
    %and3A_20 = vector.broadcast %and3A : i32 to vector<2000x128xi32>
    %and3A_21 = arith.andi %bitcast_convert_type3A, %and3A_20 : vector<2000x128xi32>
    %convert_element_type3A = arith.trunci %and3A_21 : vector<2000x128xi32> to vector<2000x128xi16>
    %bitcast_convert_type3A_22 = tpu.bitcast %convert_element_type3A : vector<2000x128xi16> -> vector<2000x128xbf16>
    %shift_right_logical3A = arith.constant 16 : i32
    %shift_right_logical3A_23 = vector.broadcast %shift_right_logical3A : i32 to vector<2000x128xi32>
    %shift_right_logical3A_24 = arith.shrui %bitcast_convert_type3A, %shift_right_logical3A_23 : vector<2000x128xi32>
    %convert_element_type3A_25 = arith.trunci %shift_right_logical3A_24 : vector<2000x128xi32> to vector<2000x128xi16>
    %bitcast_convert_type3A_26 = tpu.bitcast %convert_element_type3A_25 : vector<2000x128xi16> -> vector<2000x128xbf16>
    %convert_element_type3A_27 = arith.extf %bitcast_convert_type3A_22 : vector<2000x128xbf16> to vector<2000x128xf32>
    %convert_element_type3A_28 = arith.extf %bitcast_convert_type3A_26 : vector<2000x128xbf16> to vector<2000x128xf32>
    %add3A = arith.addf %convert_element_type3A_27, %mul3A_7 : vector<2000x128xf32>
    %mul3A_29 = arith.mulf %get3A_16, %add3A : vector<2000x128xf32>
    %get3A_30 = arith.constant 0 : index
    %get3A_31 = arith.constant 0 : index
    %get3A_32 = vector.load %arg6[%get3A_30, %get3A_31] : memref<128x8xf32, #tpu.memory_space<vmem>>, vector<128x8xf32>
    %dot_general3A_33 = arith.constant dense<0.000000e+00> : vector<2000x8xf32>
    %dot_general3A_34 = tpu.matmul %mul3A_29, %get3A_32, %dot_general3A_33 {dimension_numbers = #tpu.dot_dimension_numbers<[1], [0], [0], [1], [0, 0, 1, 1], [], []>, transpose_lhs_hint = false} : vector<2000x128xf32>, vector<128x8xf32>, vector<2000x8xf32> -> vector<2000x8xf32>
    %min3A = arith.constant 7.500000e+01 : f32
    %min3A_35 = vector.broadcast %min3A : f32 to vector<2000x8xf32>
    %min3A_36 = arith.minimumf %dot_general3A_34, %min3A_35 : vector<2000x8xf32>
    %exp3A = math.exp %min3A_36 : vector<2000x8xf32>
    %get3A_37 = arith.constant 0 : index
    %get3A_38 = arith.constant 0 : index
    %get3A_39 = vector.load %arg7[%get3A_37, %get3A_38] : memref<8x128xf32, #tpu.memory_space<vmem>>, vector<8x128xf32>
    %dot_general3A_40 = arith.constant dense<0.000000e+00> : vector<2000x128xf32>
    %dot_general3A_41 = tpu.matmul %exp3A, %get3A_39, %dot_general3A_40 {dimension_numbers = #tpu.dot_dimension_numbers<[1], [0], [0], [1], [0, 0, 1, 1], [], []>, transpose_lhs_hint = false} : vector<2000x8xf32>, vector<8x128xf32>, vector<2000x128xf32> -> vector<2000x128xf32>
    %add3A_42 = arith.addf %convert_element_type3A_28, %dot_general3A_13 : vector<2000x128xf32>
    %mul3A_43 = arith.mulf %dot_general3A_41, %add3A_42 : vector<2000x128xf32>
    %swap3A = arith.constant 0 : index
    %swap3A_44 = arith.constant 0 : index
    %swap3A_45 = vector.load %arg8[%swap3A, %swap3A_44] : memref<2000x128xf32, #tpu.memory_space<vmem>>, vector<2000x128xf32>
    tpu.vector_store %arg8[%swap3A, %swap3A_44], %mul3A_43 {strides = array<i32>} : memref<2000x128xf32, #tpu.memory_space<vmem>>, vector<2000x128xf32>,
    %swap3A_46 = arith.constant 0 : index
    %swap3A_47 = arith.constant 0 : index
    %swap3A_48 = vector.load %arg9[%swap3A_46, %swap3A_47] : memref<2000x128xf32, #tpu.memory_space<vmem>>, vector<2000x128xf32>
    tpu.vector_store %arg9[%swap3A_46, %swap3A_47], %dot_general3A_41 {strides = array<i32>} : memref<2000x128xf32, #tpu.memory_space<vmem>>, vector<2000x128xf32>,
    return
  }
  func.func @transform_0(%arg0: i32) -> (i32, i32) {
    %c0_i32 = arith.constant 0 : i32
    %c0_i32_0 = arith.constant 0 : i32
    return %arg0, %c0_i32 : i32, i32
  }
  func.func @transform_1(%arg0: i32) -> (i32, i32) {
    %c0_i32 = arith.constant 0 : i32
    %c0_i32_0 = arith.constant 0 : i32
    return %arg0, %c0_i32 : i32, i32
  }
  func.func @transform_2(%arg0: i32) -> (i32, i32) {
    %c0_i32 = arith.constant 0 : i32
    %c0_i32_0 = arith.constant 0 : i32
    return %arg0, %c0_i32 : i32, i32
  }
  func.func @transform_3(%arg0: i32) -> (i32, i32) {
    %c0_i32 = arith.constant 0 : i32
    %c0_i32_0 = arith.constant 0 : i32
    %c0_i32_1 = arith.constant 0 : i32
    return %c0_i32, %c0_i32_0 : i32, i32
  }
  func.func @transform_4(%arg0: i32) -> (i32, i32) {
    %c0_i32 = arith.constant 0 : i32
    %c0_i32_0 = arith.constant 0 : i32
    %c0_i32_1 = arith.constant 0 : i32
    return %c0_i32, %c0_i32_0 : i32, i32
  }
  func.func @transform_5(%arg0: i32) -> (i32, i32) {
    %c0_i32 = arith.constant 0 : i32
    %c0_i32_0 = arith.constant 0 : i32
    %c0_i32_1 = arith.constant 0 : i32
    return %c0_i32, %c0_i32_0 : i32, i32
  }
  func.func @transform_6(%arg0: i32) -> (i32, i32) {
    %c0_i32 = arith.constant 0 : i32
    %c0_i32_0 = arith.constant 0 : i32
    %c0_i32_1 = arith.constant 0 : i32
    return %c0_i32, %c0_i32_0 : i32, i32
  }
  func.func @transform_7(%arg0: i32) -> (i32, i32) {
    %c0_i32 = arith.constant 0 : i32
    %c0_i32_0 = arith.constant 0 : i32
    return %arg0, %c0_i32 : i32, i32
  }
  func.func @transform_8(%arg0: i32) -> (i32, i32) {
    %c0_i32 = arith.constant 0 : i32
    %c0_i32_0 = arith.constant 0 : i32
    return %arg0, %c0_i32 : i32, i32
  }
}

module attributes {stable_mosaic.version = 14 : i64} {
  func.func @_finish_body(%arg0: i32, %arg1: memref<1000x128xf32, #tpu.memory_space<vmem>>, %arg2: memref<2x1000x128xf32, #tpu.memory_space<vmem>>, %arg3: memref<2x1000x128xf32, #tpu.memory_space<vmem>>, %arg4: memref<128x128xf32, #tpu.memory_space<vmem>>, %arg5: memref<1000x128xf32, #tpu.memory_space<vmem>>) attributes {dimension_semantics = [#tpu.dimension_semantics<arbitrary>], iteration_bounds = array<i64: 10>, scalar_prefetch = 0 : i64, scratch_operands = 0 : i64, tpu.core_type = #tpu.core_type<tc>, window_params = [{transform_indices = @transform_0, window_bounds = array<i64: 1000, 128>}, {transform_indices = @transform_1, window_bounds = array<i64: 2, 1000, 128>}, {transform_indices = @transform_2, window_bounds = array<i64: 2, 1000, 128>}, {pipeline_mode = #tpu.pipeline_mode<synchronous>, transform_indices = @transform_3, window_bounds = array<i64: 128, 128>}, {transform_indices = @transform_4, window_bounds = array<i64: 1000, 128>}]} {
    %get3A = arith.constant 0 : index
    %get3A_0 = arith.constant 0 : index
    %get3A_1 = vector.load %arg1[%get3A, %get3A_0] : memref<1000x128xf32, #tpu.memory_space<vmem>>, vector<1000x128xf32>
    %get3A_2 = arith.constant 0 : index
    %get3A_3 = arith.constant 0 : index
    %get3A_4 = arith.constant 0 : index
    %get3A_5 = vector.load %arg2[%get3A_2, %get3A_3, %get3A_4] : memref<2x1000x128xf32, #tpu.memory_space<vmem>>, vector<1x1000x128xf32>
    %get3A_6 = vector.shape_cast %get3A_5 : vector<1x1000x128xf32> to vector<1000x128xf32>
    %get3A_7 = arith.constant 1 : index
    %get3A_8 = arith.constant 0 : index
    %get3A_9 = arith.constant 0 : index
    %get3A_10 = vector.load %arg2[%get3A_7, %get3A_8, %get3A_9] : memref<2x1000x128xf32, #tpu.memory_space<vmem>>, vector<1x1000x128xf32>
    %get3A_11 = vector.shape_cast %get3A_10 : vector<1x1000x128xf32> to vector<1000x128xf32>
    %add3A = arith.addf %get3A_6, %get3A_11 : vector<1000x128xf32>
    %get3A_12 = arith.constant 0 : index
    %get3A_13 = arith.constant 0 : index
    %get3A_14 = arith.constant 0 : index
    %get3A_15 = vector.load %arg3[%get3A_12, %get3A_13, %get3A_14] : memref<2x1000x128xf32, #tpu.memory_space<vmem>>, vector<1x1000x128xf32>
    %get3A_16 = vector.shape_cast %get3A_15 : vector<1x1000x128xf32> to vector<1000x128xf32>
    %get3A_17 = arith.constant 1 : index
    %get3A_18 = arith.constant 0 : index
    %get3A_19 = arith.constant 0 : index
    %get3A_20 = vector.load %arg3[%get3A_17, %get3A_18, %get3A_19] : memref<2x1000x128xf32, #tpu.memory_space<vmem>>, vector<1x1000x128xf32>
    %get3A_21 = vector.shape_cast %get3A_20 : vector<1x1000x128xf32> to vector<1000x128xf32>
    %add3A_22 = arith.addf %get3A_16, %get3A_21 : vector<1000x128xf32>
    %add3A_23 = arith.constant 9.99999971E-10 : f32
    %add3A_24 = vector.broadcast %add3A_23 : f32 to vector<1000x128xf32>
    %add3A_25 = arith.addf %add3A_22, %add3A_24 : vector<1000x128xf32>
    %div3A = arith.divf %add3A, %add3A_25 : vector<1000x128xf32>
    %sub3A = arith.subf %get3A_1, %div3A : vector<1000x128xf32>
    %get3A_26 = arith.constant 0 : index
    %get3A_27 = arith.constant 0 : index
    %get3A_28 = vector.load %arg4[%get3A_26, %get3A_27] : memref<128x128xf32, #tpu.memory_space<vmem>>, vector<128x128xf32>
    %transpose3A = tpu.transpose %get3A_28, [1, 0] : vector<128x128xf32> -> vector<128x128xf32>
    %dot_general3A = arith.constant dense<0.000000e+00> : vector<1000x128xf32>
    %dot_general3A_29 = tpu.matmul %sub3A, %transpose3A, %dot_general3A {dimension_numbers = #tpu.dot_dimension_numbers<[1], [0], [0], [1], [0, 0, 1, 1], [], []>, transpose_lhs_hint = false} : vector<1000x128xf32>, vector<128x128xf32>, vector<1000x128xf32> -> vector<1000x128xf32>
    %swap3A = arith.constant 0 : index
    %swap3A_30 = arith.constant 0 : index
    %swap3A_31 = vector.load %arg5[%swap3A, %swap3A_30] : memref<1000x128xf32, #tpu.memory_space<vmem>>, vector<1000x128xf32>
    tpu.vector_store %arg5[%swap3A, %swap3A_30], %dot_general3A_29 {strides = array<i32>} : memref<1000x128xf32, #tpu.memory_space<vmem>>, vector<1000x128xf32>,
    return
  }
  func.func @transform_0(%arg0: i32) -> (i32, i32) {
    %c0_i32 = arith.constant 0 : i32
    %c0_i32_0 = arith.constant 0 : i32
    return %arg0, %c0_i32 : i32, i32
  }
  func.func @transform_1(%arg0: i32) -> (i32, i32, i32) {
    %c0_i32 = arith.constant 0 : i32
    %c0_i32_0 = arith.constant 0 : i32
    %c0_i32_1 = arith.constant 0 : i32
    return %c0_i32, %arg0, %c0_i32_0 : i32, i32, i32
  }
  func.func @transform_2(%arg0: i32) -> (i32, i32, i32) {
    %c0_i32 = arith.constant 0 : i32
    %c0_i32_0 = arith.constant 0 : i32
    %c0_i32_1 = arith.constant 0 : i32
    return %c0_i32, %arg0, %c0_i32_0 : i32, i32, i32
  }
  func.func @transform_3(%arg0: i32) -> (i32, i32) {
    %c0_i32 = arith.constant 0 : i32
    %c0_i32_0 = arith.constant 0 : i32
    %c0_i32_1 = arith.constant 0 : i32
    return %c0_i32, %c0_i32_0 : i32, i32
  }
  func.func @transform_4(%arg0: i32) -> (i32, i32) {
    %c0_i32 = arith.constant 0 : i32
    %c0_i32_0 = arith.constant 0 : i32
    return %arg0, %c0_i32 : i32, i32
  }
}

</mosaic_0001>

<sc_bundles>
// kernel: kernel.10.cloned.1.call-start
scs
__scs_entry_jumppad:
0x0: {  	(pc) =	sbr.rel $0x88, $3  }
0x1: {  	(tag) =	ssettag $0x0;
	lr =	simm.s32 $0x1  }
0x2: {  	[smem:$0x3F97] =	sst lr;
	_ =	strace $0xD0000000  }
0x3: {  	_ = 	snop  }
0x4: {  	_ = 	snop  }
0x5: {  	_ = 	snop  }
0x6: {  	_ = 	snop  }
0x7: {  	_ = 	snop  }
__scs_overlays_trampoline_lowered:
0x8: {  	[smem:$0x3FA6] =	sst s0  }
0x9: {  	[smem:$0x3FA7] =	sst s1  }
0xa: {  	[smem:$0x3FA8] =	sst s2  }
0xb: {  	[smem:$0x3FA9] =	sst s3  }
0xc: {  	[smem:$0x3FAA] =	sst s4  }
0xd: {  	[smem:$0x3FAB] =	sst s5  }
0xe: {  	[smem:$0x3FAC] =	sst s6  }
0xf: {  	[smem:$0x3FAD] =	sst s7  }
0x10: {  	[smem:$0x3FAE] =	sst s8  }
0x11: {  	[smem:$0x3FAF] =	sst s9;
	s0 =	simm.s32 @!p0 $0x0  }
0x12: {  	s1 =	sld [smem:$0x3F95];
	s0 =	simm.s32 @p0 $0x1  }
0x13: {  	[smem:$0x3FB0] =	sst s0;
	s0 =	simm.s32 @!p1 $0x0  }
0x14: {  	s2 =	sld [smem:$0x3F94];
	s0 =	simm.s32 @p1 $0x1  }
0x15: {  	[smem:$0x3FB1] =	sst s0;
	s0 =	simm.s32 @!p2 $0x0  }
0x16: {  	s3 =	sld [smem:$0x3FDB];
	s0 =	simm.s32 @p2 $0x1  }
0x17: {  	s4 =	simm.s32 $0x1BF5;
	[smem:$0x3FB3] =	sst s0  }
0x18: {  	s0 =	sld [smem:$0x3F96];
	_ =	swait.ge [sflag:s4], $0x0  }
0x19: {  	s7 =	sld [smem:$0x3F97]  }
0x1a: {  	s8 =	sadd.s32 $0xFFFFE003, lr  }
0x1b: {  	s9 =	sadd.s32 $0xFFFFFEF7, lr;
	s5 =	simm.s32 $0xFFFFFFFF;
	p2 =	slt.u32 s8, $0xFFFFF086  }
0x1c: {  	p1 =	slt.u32 s9, $0xF7A;
	s5 =	simm.s32 @!p2 $0x0  }
0x1d: {  	s5 =	simm.s32 @p1 $0x1;
	p0 =	seq.s32 s7, s2  }
0x1e: {  	s7 =	smul.u32 @!p0 $0xF7A, s2;
	p2 =	seq.s32 @!p0 s5, $0x0  }
0x1f: {  	s9 =	smul.u32 $0xF7A, s1;
	s8 =	simm.s32 @!p0 $0x1BF5;
	p2 =	por !p2, p0  }
0x20: {  	[sflag:s8] =	ssyncset.s32 @!p0 $0xFFFFF086;
	s6 =	sadd.s32 @!p0 s3, s7;
	s7 =	simm.s32 @!p0 $0x108  }
0x21: {  	s3 =	sadd.s32 s3, s9;
	s6 =	sadd.s32 @!p0 $0x88, s6;
	s7 =	simm.s32 @p2 $0x1082  }
0x22: {  	[simem:s7], [sflag:s8] =	dma.local @!p0 [hbm:s6], $0xF7A  }
0x23: {  	s9 =	sor.u32 $0xD0000000, s2;
	s6 =	simm.s32 $0x108;
	_ =	swait.ge @!p0 [sflag:s8], $0x0  }
0x24: {  	s3 =	sadd.s32 $0x88, s3;
	s6 =	simm.s32 @!p1 $0x1082;
	[sflag:s4] =	ssyncset.s32 $0xFFFFF086  }
0x25: {  	[simem:s6], [sflag:s4] =	dma.local [hbm:s3], $0xF7A  }
0x26: {  	[smem:$0x3F97] =	sst s1;
	(tag) =	ssettag s2;
	_ =	strace s9  }
0x27: {  	s1 =	sld [smem:$0x3FA7]  }
0x28: {  	s2 =	sld [smem:$0x3FA8]  }
0x29: {  	s4 =	sld [smem:$0x3FAA]  }
0x2a: {  	p0 =	seq.s32 s5, $0x0;
	s5 =	sld [smem:$0x3FAB]  }
0x2b: {  	s6 =	sld [smem:$0x3FAC]  }
0x2c: {  	s7 =	sld [smem:$0x3FAD]  }
0x2d: {  	s3 =	simm.s32 $0x108;
	s8 =	sld [smem:$0x3FAE]  }
0x2e: {  	s3 =	simm.s32 @!p0 $0x1082;
	s9 =	sld [smem:$0x3FAF]  }
0x2f: {  	lr =	sadd.s32 s0, s3;
	s0 =	sld [smem:$0x3FA6]  }
0x30: {  	s3 =	sld [smem:$0x3FA9]  }
0x31: {  	[smem:$0x3FB2] =	sst s10  }
0x32: {  	s10 =	sld [smem:$0x3FB0];
	_ =	sdelay $0x3  }
0x33: {  	p0 =	seq.s32 s10, $0x1;
	s10 =	sld [smem:$0x3FB2];
	_ =	sdelay $0x3  }
0x34: {  	[smem:$0x3FB2] =	sst s10  }
0x35: {  	s10 =	sld [smem:$0x3FB1];
	_ =	sdelay $0x3  }
0x36: {  	p1 =	seq.s32 s10, $0x1;
	s10 =	sld [smem:$0x3FB2];
	_ =	sdelay $0x3  }
0x37: {  	[smem:$0x3FB2] =	sst s10  }
0x38: {  	s10 =	sld [smem:$0x3FB3]  }
0x39: {  	_ = 	snop;
	(pc) =	sbr.ind lr, $3  }
0x3a: {  	_ = 	snop  }
0x3b: {  	_ = 	snop  }
0x3c: {  	p2 =	seq.s32 s10, $0x1;
	s10 =	sld [smem:$0x3FB2]  }
0x3d: {  	_ =	shalt  }
0x3e: {  	_ =	shalt  }
0x3f: {  	_ =	shalt  }
0x40: {  	_ =	shalt  }
0x41: {  	_ =	shalt  }
0x42: {  	_ =	shalt  }
0x43: {  	_ =	shalt  }
0x44: {  	_ =	shalt  }
0x45: {  	_ =	shalt  }
0x46: {  	_ =	shalt  }
0x47: {  	_ =	shalt  }
0x48: {  	_ =	shalt  }
0x49: {  	_ =	shalt  }
0x4a: {  	_ =	shalt  }
0x4b: {  	_ =	shalt  }
0x4c: {  	_ =	shalt  }
0x4d: {  	_ =	shalt  }
0x4e: {  	_ =	shalt  }
0x4f: {  	_ =	shalt  }
0x50: {  	_ =	shalt  }
0x51: {  	_ =	shalt  }
0x52: {  	_ =	shalt  }
0x53: {  	_ =	shalt  }
0x54: {  	_ =	shalt  }
0x55: {  	_ =	shalt  }
0x56: {  	_ =	shalt  }
0x57: {  	_ =	shalt  }
0x58: {  	_ =	shalt  }
0x59: {  	_ =	shalt  }
0x5a: {  	_ =	shalt  }
0x5b: {  	_ =	shalt  }
0x5c: {  	_ =	shalt  }
0x5d: {  	_ =	shalt  }
0x5e: {  	_ =	shalt  }
0x5f: {  	_ =	shalt  }
0x60: {  	_ =	shalt  }
0x61: {  	_ =	shalt  }
0x62: {  	_ =	shalt  }
0x63: {  	_ =	shalt  }
0x64: {  	_ =	shalt  }
0x65: {  	_ =	shalt  }
0x66: {  	_ =	shalt  }
0x67: {  	_ =	shalt  }
0x68: {  	_ =	shalt  }
0x69: {  	_ =	shalt  }
0x6a: {  	_ =	shalt  }
0x6b: {  	_ =	shalt  }
0x6c: {  	_ =	shalt  }
0x6d: {  	_ =	shalt  }
0x6e: {  	_ =	shalt  }
0x6f: {  	_ =	shalt  }
0x70: {  	_ =	shalt  }
0x71: {  	_ =	shalt  }
0x72: {  	_ =	shalt  }
0x73: {  	_ =	shalt  }
0x74: {  	_ =	shalt  }
0x75: {  	_ =	shalt  }
0x76: {  	_ =	shalt  }
0x77: {  	_ =	shalt  }
0x78: {  	_ =	shalt  }
0x79: {  	_ =	shalt  }
0x7a: {  	_ =	shalt  }
0x7b: {  	_ =	shalt  }
0x7c: {  	_ =	shalt  }
0x7d: {  	_ =	shalt  }
0x7e: {  	_ =	shalt  }
0x7f: {  	_ =	shalt  }
0x80: {  	_ =	shalt  }
0x81: {  	_ =	shalt  }
0x82: {  	_ =	shalt  }
0x83: {  	_ =	shalt  }
0x84: {  	_ =	shalt  }
0x85: {  	_ =	shalt  }
0x86: {  	_ =	shalt  }
0x87: {  	_ =	shalt  }
.Lfunc_end0:
.L_simem_size_0:
called_computation.1_lowered:
.L_overlay_start_0:
0x88: {  	s2 =	sld [smem:$0x3FD9]  }
0x89: {  	s3 =	sld [smem:$0x3FFE];
	_ =	sdelay $0x1  }
0x8a: {  	s1 =	srdreg.scid  }
0x8b: {  	s0 =	sand.u32 $0x1, s1  }
0x8c: {  	s16 =	sshll.u32 s0, $0xA;
	s2 =	sadd.s32 s3, s2  }
0x8d: {  	s2 =	sadd.s32 s2, s16  }
0x8e: {  	[smem:$0x3FBE] =	sst s2  }
0x8f: {  	_ = 	snop  }
0x90: {  	(tm) =	ssettm $0x1  }
0x91: {  	s17 =	sld [smem:$0x3FFB];
	_ =	sdelay $0x3  }
0x92: {  	_ =	strace s17  }
0x93: {  	s2 =	sld [smem:$0x3FFC];
	_ =	sdelay $0x3  }
0x94: {  	_ =	strace s2  }
0x95: {  	s2 =	sld [smem:$0x3FFD];
	_ =	sdelay $0x3  }
0x96: {  	_ =	strace s2  }
0x97: {  	_ =	strace $0x8FFFFFFF  }
0x98: {  	s18 =	sld [smem:$0x3FDB];
	_ =	sdelay $0x1  }
0x99: {  	s19 =	simm.s32 $_scs_section_size  }
0x9a: {  	s4 =	simm.s32 $_size__tile_overlayer_lowered;
	s5 =	simm.s32 $_tile_overlayer_lowered  }
0x9b: {  	s22 =	simm.s32 $0x1BFF;
	s21 =	sshll.u32 s5, $0x1;
	s2 =	sadd.s32 s19, s18  }
0x9c: {  	s6 =	simm.s32 $0x0;
	s20 =	sshll.u32 s4, $0x1;
	s4 =	sadd.s32 s21, s2  }
0x9d: {  	[timem:s6], [sflag:s22] =	dma.local [hbm:s4], s20  }
0x9e: {  	_ =	swait.ge [sflag:s22], s20  }
0x9f: {  	s3 =	ssub.s32 $0x0, s20;
	[sflag:s22] =	ssyncset.done $0x0  }
0xa0: {  	[sflag:s22] =	ssyncadd.s32 s3;
	_ =	sdelay $0x1  }
0xa1: {  	s23 =	simm.s32 $0x1B8B  }
0xa2: {  	_ =	swait.ge [sflag:s23], $0x1  }
0xa3: {  	[sflag:s23] =	ssyncset.done $0x0  }
0xa4: {  	s25 =	simm.s32 $0x1B8E;
	s24 =	sld [smem:$0x3FFE];
	[sflag:s23] =	ssyncadd.s32 $0xFFFFFFFF  }
0xa5: {  	s26 =	simm.s32 $execute0_lowered;
	[smem:$0x3FD2] =	sst s25  }
0xa6: {  	s4 =	sshll.u32 s26, $0x1;
	_ =	strace $0x80000049;
	[dreg:$0x1] =	wrdreg $0xFFFFFFFF  }
0xa7: {  	s28 =	simm.s32 $_size_execute0_lowered;
	s2 =	sadd.s32 s2, s4;
	[dreg:$0x0] =	wrdreg $0x0  }
0xa8: {  	s4 =	sshll.u32 s28, $0x1;
	[dreg:$0x2] =	wrdreg s2  }
0xa9: {  	[dreg:$0x3] =	wrdreg s4  }
0xaa: {  	[dreg:$0x4] =	wrdreg $0xC0  }
0xab: {  	_ =	task [dreg:s6], $0x5FFFF  }
0xac: {  	[dreg:$0x1] =	wrdreg $0xFFFFFFFF  }
0xad: {  	[dreg:$0x0] =	wrdreg $0x60  }
0xae: {  	[dreg:$0x2] =	wrdreg s24  }
0xaf: {  	[dreg:$0x3] =	wrdreg $0xA8000  }
0xb0: {  	[dreg:$0x4] =	wrdreg $0x9  }
0xb1: {  	_ =	task.clear_ibuf [dreg:s6], $0x5FFFF;
	_ =	strace $0x90000049  }
0xb2: {  	s29 =	simm.s32 $0x9;
	_ =	strace $0x8000004B  }
0xb3: {  	_ =	swait.ge [sflag:s29], $0x1  }
0xb4: {  	[sflag:s29] =	ssyncadd.s32 $0xFFFFFFFF  }
0xb5: {  	_ =	strace $0x9000004B  }
0xb6: {  	_ =	sfence  }
0xb7: {  	s30 =	sld [smem:$0x0];
	_ =	sdelay $0x2  }
0xb8: {  	s31 =	sshll.u32 s1, $0xD;
	s1 =	sshrl.u32 s1, $0x2  }
0xb9: {  	s3 =	sand.u32 $0x4000, s31;
	s1 =	sadd.s32 s1, s30  }
0xba: {  	s0 =	sor.u32 s3, s0;
	s1 =	sshll.u32 s1, $0x11  }
0xbb: {  	s0 =	sor.u32 s1, s0  }
0xbc: {  	s0 =	sadd.s32 $0x8F2B, s0  }
0xbd: {  	[sflag:s0] =	ssyncadd.remote.s32 $0x1  }
0xbe: {  	_ =	sfence.sel $0xFFFF  }
0xbf: {  	[dreg:$0x0] =	wrdreg $0xFFFFFFFF;
	(pc) =	sbr.abs _section_cstart, $3  }
0xc0: {  	[dreg:$0x1] =	wrdreg $0xFFFFFFFF  }
0xc1: {  	_ =	task.clear_ibuf [dreg:s6], $0x2FFFF;
	_ =	strace $0x9FFFFFFF  }
0xc2: {  	(tm) =	ssettm $0x7FFFFFFF  }
0xc3: {  	_ =	shalt  }
tec
execute0_lowered:
.L_overlay_start_1:
0x0: {  	(tag) =	ssettag $0x1  }
0x1: {  	s0 =	srdreg.scid  }
0x2: {  	s5 =	rddreg [dreg:$0x0];
	s4 =	sand.u32 $0x1, s0  }
0x3: {  	s0 =	stileid.u32;
	s6 =	smul.u32 $0x280000, s4  }
0x4: {  	s2 =	rddreg [dreg:$0x1];
	s3 =	simm.s32 $0x0;
	s8 =	smul.u32 $0x13C00, s0  }
0x5: {  	s15 =	simm.s32 $0x2800;
	s16 =	simm.s32 $0x6800;
	s9 =	smul.u32 $0x13C000, s4  }
0x6: {  	s17 =	simm.s32 $0x1;
	s18 =	simm.s32 $0x80;
	s11 =	smul.u32 $0x4F000, s0  }
0x7: {  	s19 =	simm.s32 $0x2;
	s20 =	simm.s32 $0x0;
	s12 =	smul.u32 $0xFFFFFFB0, s0  }
0x8: {  	[smem:$0x7FF] =	sst s3;
	s1 =	sshll.u32 s4, $0x4;
	s26 =	smul.u32 $0xFFFFFB00, s4  }
0x9: {  	s23 =	ssub.s32 $0x2, s4;
	s13 =	smul.u32 $0x28000, s0;
	s1 =	sor.u32 s0, s1  }
0xa: {  	s31 =	sshll.u32 s0, $0x6;
	s24 =	sshrl.u32 s23, $0x1;
	s7 =	smul.u32 $0x500, s1  }
0xb: {  	s1 =	rddreg [dreg:$0x2];
	_ =	strace $0x8000004A;
	s10 =	sadd.s32 s6, s5  }
0xc: {  	s22 =	sshrl.u32 s8, $0x3;
	s8 =	sadd.s32 s8, s9;
	s9 =	ssub.s32 s23, s24  }
0xd: {  	s25 =	sshrl.u32 s11, $0x2;
	s11 =	sadd.s32 s26, s12;
	s12 =	simm.s32 $0x3  }
0xe: {  	s6 =	sadd.s32 s22, s5;
	s8 =	sshrl.u32 s8, $0x3;
	s14 =	sadd.s32 s25, s2  }
0xf: {  	s28 =	sadd.s32 $0x9C4, s11;
	s29 =	sadd.s32 s13, s10;
	s13 =	sor.u32 $0x1C03, s31  }
0x10: {  	s7 =	sadd.s32 s7, s5;
	s8 =	sadd.s32 s8, s5;
	s5 =	sadd.s32 $0xC600, s6  }
0x11: {  	s30 =	smin.u32 s28, $0x50;
	s11 =	sadd.s32 $0xF0AA00, s29;
	s14 =	sshrl.u32 s14, $0x3  }
0x12: {  	s4 =	sadd.s32 $0x2600, s7;
	s6 =	sadd.s32 $0x33E00, s8;
	s7 =	sadd.s32 $0x82E00, s8  }
0x13: {  	s8 =	smax.u32 s9, $0x1;
	s9 =	sadd.s32 $0xA28A00, s29;
	s10 =	sshll.u32 s30, $0xB  }
.LBB2_1:
0x14: {  	[tilespmem:s3], [sflag:$0x3] =	stream.linear.gather [hbm4b:s4+s3], $0x2800, $0x38;
	[tilespmem:$0x1E400] =	vst v63  }
0x15: {  	_ =	swait.ge [sflag:s12], $0x2800  }
0x16: {  	[sflag:s12] =	ssyncset.done $0x0  }
0x17: {  	[sflag:s12] =	ssyncadd.s32 $0xFFFFD800  }
0x18: {  	[spmem:s14], [sflag:s13] =	dma.local [hbm:s5], $0x2780  }
0x19: {  	_ =	swait.ge [sflag:s12], $0x2780  }
0x1a: {  	[sflag:s12] =	ssyncset.done $0x0  }
0x1b: {  	[sflag:s12] =	ssyncadd.s32 $0xFFFFD880  }
0x1c: {  	[bflag:$0x0] =	sbarrier.arrive $0xFFFF  }
0x1d: {  	[tilespmem:s15], [sflag:$0x1] =	stream.linear.gather [hbm4b:s9+s3], $0x4000, $0x38;
	[tilespmem:$0x1E400] =	vst v63  }
0x1e: {  	s21 =	sadd.s32 $0x800, s9  }
0x1f: {  	[tilespmem:s16], [sflag:$0x2] =	stream.linear.gather [hbm4b:s21+s3], $0x4000, $0x38;
	[tilespmem:$0x1E400] =	vst v63  }
0x20: {  	_ =	swait.ge [sflag:s17], $0x4000  }
0x21: {  	[sflag:s17] =	ssyncset.done $0x0  }
0x22: {  	s31 =	simm.s32 $0x0;
	[sflag:s17] =	ssyncadd.s32 $0xFFFFC000  }
0x23: {  	[spmem:s2] =	stream.indirect.scatter.add.f32 [tilespmem:s15], [sflag:$0x1], $0x80, s31, s18, $0xb8;
	[tilespmem:$0x1E400] =	vst v63  }
0x24: {  	_ =	swait.ge [sflag:s19], $0x4000  }
0x25: {  	[sflag:s19] =	ssyncset.done $0x0  }
0x26: {  	p0 =	sne.s32 s10, $0x1000;
	[sflag:s19] =	ssyncadd.s32 $0xFFFFC000  }
0x27: {  	[spmem:s2] =	stream.indirect.scatter.add.f32 [tilespmem:s16], [sflag:$0x2], $0x80, s18, s18, $0xb8;
	[tilespmem:$0x1E400] =	vst v63  }
.Ltmp0:
0x28: {  	_ =	swait.ge [sflag:s17], $0x4000;
	(pc) =	sbr.rel @!p0 .LBB2_3-.Ltmp0, $4  }
0x29: {  	[sflag:s17] =	ssyncset.done $0x0  }
0x2a: {  	[sflag:s17] =	ssyncadd.s32 $0xFFFFC000  }
0x2b: {  	s22 =	smov.u32 s9;
	_ =	swait.ge [sflag:s19], $0x4000  }
0x2c: {  	s23 =	simm.s32 $0x80;
	s21 =	sadd.s32 $0xFFFFF000, s10;
	[sflag:s19] =	ssyncset.done $0x0  }
.LBB2_2:
0x2d: {  	[sflag:s19] =	ssyncadd.s32 $0xFFFFC000;
	s22 =	sadd.s32 $0x1000, s22;
	s23 =	sadd.s32 $0x100, s23  }
0x2e: {  	[tilespmem:s15], [sflag:$0x1] =	stream.linear.gather [hbm4b:s22+s3], $0x4000, $0x38;
	[tilespmem:$0x1E400] =	vst v63  }
0x2f: {  	p1 =	sne.s32 s21, $0x1000;
	s21 =	sadd.s32 $0xFFFFF000, s21;
	s24 =	sadd.s32 $0x800, s22  }
0x30: {  	[tilespmem:s16], [sflag:$0x2] =	stream.linear.gather [hbm4b:s24+s3], $0x4000, $0x38;
	[tilespmem:$0x1E400] =	vst v63  }
0x31: {  	_ =	swait.ge [sflag:s17], $0x4000  }
0x32: {  	[sflag:s17] =	ssyncset.done $0x0  }
0x33: {  	s24 =	sadd.s32 $0xFFFFFF80, s23;
	[sflag:s17] =	ssyncadd.s32 $0xFFFFC000  }
0x34: {  	[spmem:s2] =	stream.indirect.scatter.add.f32 [tilespmem:s15], [sflag:$0x1], $0x80, s24, s18, $0xb8;
	[tilespmem:$0x1E400] =	vst v63  }
0x35: {  	_ =	swait.ge [sflag:s19], $0x4000  }
0x36: {  	[sflag:s19] =	ssyncset.done $0x0  }
0x37: {  	[sflag:s19] =	ssyncadd.s32 $0xFFFFC000  }
0x38: {  	[spmem:s2] =	stream.indirect.scatter.add.f32 [tilespmem:s16], [sflag:$0x2], $0x80, s23, s18, $0xb8;
	[tilespmem:$0x1E400] =	vst v63  }
.Ltmp1:
0x39: {  	_ =	swait.ge [sflag:s17], $0x4000;
	(pc) =	sbr.rel @p1 .LBB2_2-.Ltmp1, $4  }
0x3a: {  	[sflag:s17] =	ssyncset.done $0x0  }
0x3b: {  	[sflag:s17] =	ssyncadd.s32 $0xFFFFC000  }
0x3c: {  	_ =	swait.ge [sflag:s19], $0x4000  }
0x3d: {  	[sflag:s19] =	ssyncset.done $0x0  }
.LBB2_3:
0x3e: {  	[sflag:s19] =	ssyncadd.s32 $0xFFFFC000  }
0x3f: {  	[bflag:$0x0] =	sbarrier.arrive $0xFFFF  }
0x40: {  	[hbm:s6], [sflag:s13] =	dma.local [spmem:s14], $0x2780  }
0x41: {  	_ =	swait.ge [sflag:s12], $0x2780  }
0x42: {  	[sflag:s12] =	ssyncset.done $0x0  }
0x43: {  	[sflag:s12] =	ssyncadd.s32 $0xFFFFD880  }
0x44: {  	[bflag:$0x0] =	sbarrier.arrive $0xFFFF  }
0x45: {  	[spmem:s14], [sflag:s13] =	dma.local [hbm:s5], $0x2780  }
0x46: {  	_ =	swait.ge [sflag:s12], $0x2780  }
0x47: {  	[sflag:s12] =	ssyncset.done $0x0  }
0x48: {  	[sflag:s12] =	ssyncadd.s32 $0xFFFFD880  }
0x49: {  	[bflag:$0x0] =	sbarrier.arrive $0xFFFF  }
0x4a: {  	[tilespmem:s15], [sflag:$0x1] =	stream.linear.gather [hbm4b:s11+s3], $0x4000, $0x38;
	[tilespmem:$0x1E400] =	vst v63  }
0x4b: {  	s21 =	sadd.s32 $0x800, s11  }
0x4c: {  	[tilespmem:s16], [sflag:$0x2] =	stream.linear.gather [hbm4b:s21+s3], $0x4000, $0x38;
	[tilespmem:$0x1E400] =	vst v63  }
0x4d: {  	_ =	swait.ge [sflag:s17], $0x4000  }
0x4e: {  	[sflag:s17] =	ssyncset.done $0x0  }
0x4f: {  	s31 =	simm.s32 $0x0;
	[sflag:s17] =	ssyncadd.s32 $0xFFFFC000  }
0x50: {  	[spmem:s2] =	stream.indirect.scatter.add.f32 [tilespmem:s15], [sflag:$0x1], $0x80, s31, s18, $0xb8;
	[tilespmem:$0x1E400] =	vst v63  }
0x51: {  	_ =	swait.ge [sflag:s19], $0x4000  }
0x52: {  	[sflag:s19] =	ssyncset.done $0x0  }
0x53: {  	s21 =	simm.s32 $0x80;
	[sflag:s19] =	ssyncadd.s32 $0xFFFFC000  }
0x54: {  	[spmem:s2] =	stream.indirect.scatter.add.f32 [tilespmem:s16], [sflag:$0x2], $0x80, s21, s18, $0xb8;
	[tilespmem:$0x1E400] =	vst v63  }
.Ltmp2:
0x55: {  	_ =	swait.ge [sflag:s17], $0x4000;
	(pc) =	sbr.rel @!p0 .LBB2_5-.Ltmp2, $4  }
0x56: {  	[sflag:s17] =	ssyncset.done $0x0  }
0x57: {  	[sflag:s17] =	ssyncadd.s32 $0xFFFFC000  }
0x58: {  	_ =	swait.ge [sflag:s19], $0x4000  }
0x59: {  	s22 =	sadd.s32 $0xFFFFF000, s10;
	s23 =	smov.u32 s11;
	[sflag:s19] =	ssyncset.done $0x0  }
.LBB2_4:
0x5a: {  	[sflag:s19] =	ssyncadd.s32 $0xFFFFC000;
	s23 =	sadd.s32 $0x1000, s23;
	s21 =	sadd.s32 $0x100, s21  }
0x5b: {  	[tilespmem:s15], [sflag:$0x1] =	stream.linear.gather [hbm4b:s23+s3], $0x4000, $0x38;
	[tilespmem:$0x1E400] =	vst v63  }
0x5c: {  	p0 =	sne.s32 s22, $0x1000;
	s22 =	sadd.s32 $0xFFFFF000, s22;
	s24 =	sadd.s32 $0x800, s23  }
0x5d: {  	[tilespmem:s16], [sflag:$0x2] =	stream.linear.gather [hbm4b:s24+s3], $0x4000, $0x38;
	[tilespmem:$0x1E400] =	vst v63  }
0x5e: {  	_ =	swait.ge [sflag:s17], $0x4000  }
0x5f: {  	[sflag:s17] =	ssyncset.done $0x0  }
0x60: {  	s24 =	sadd.s32 $0xFFFFFF80, s21;
	[sflag:s17] =	ssyncadd.s32 $0xFFFFC000  }
0x61: {  	[spmem:s2] =	stream.indirect.scatter.add.f32 [tilespmem:s15], [sflag:$0x1], $0x80, s24, s18, $0xb8;
	[tilespmem:$0x1E400] =	vst v63  }
0x62: {  	_ =	swait.ge [sflag:s19], $0x4000  }
0x63: {  	[sflag:s19] =	ssyncset.done $0x0  }
0x64: {  	[sflag:s19] =	ssyncadd.s32 $0xFFFFC000  }
0x65: {  	[spmem:s2] =	stream.indirect.scatter.add.f32 [tilespmem:s16], [sflag:$0x2], $0x80, s21, s18, $0xb8;
	[tilespmem:$0x1E400] =	vst v63  }
.Ltmp3:
0x66: {  	_ =	swait.ge [sflag:s17], $0x4000;
	(pc) =	sbr.rel @p0 .LBB2_4-.Ltmp3, $4  }
0x67: {  	[sflag:s17] =	ssyncset.done $0x0  }
0x68: {  	[sflag:s17] =	ssyncadd.s32 $0xFFFFC000  }
0x69: {  	_ =	swait.ge [sflag:s19], $0x4000  }
0x6a: {  	[sflag:s19] =	ssyncset.done $0x0  }
.LBB2_5:
0x6b: {  	[sflag:s19] =	ssyncadd.s32 $0xFFFFC000;
	s20 =	sadd.s32 $0x1, s20  }
0x6c: {  	[bflag:$0x0] =	sbarrier.arrive $0xFFFF;
	p0 =	sne.s32 s20, s8  }
0x6d: {  	[hbm:s7], [sflag:s13] =	dma.local [spmem:s14], $0x2780  }
.Ltmp4:
0x6e: {  	_ =	swait.ge [sflag:s12], $0x2780;
	(pc) =	sbr.rel @p0 .LBB2_1-.Ltmp4, $3  }
0x6f: {  	[sflag:s12] =	ssyncset.done $0x0  }
0x70: {  	[sflag:s12] =	ssyncadd.s32 $0xFFFFD880  }
0x71: {  	[bflag:$0x0] =	sbarrier.arrive $0xFFFF;
	_ =	sdelay $0x1  }
0x72: {  	_ =	sfence.sel $0x180000  }
0x73: {  	[bflag:$0x0] =	sbarrier.arrive $0xFFFF  }
0x74: {  	p0 =	sne.s32 s0, $0x0;
	_ =	strace $0x9000004A  }
0x75: {  	s0 =	sadd.s32 @!p0 $0x100000, s1;
	[bflag:$0x2] =	sbarrier.arrive $0xFFFF  }
0x76: {  	[sflag:s0] =	ssyncadd.tile.s32 @!p0 $0x1;
	_ =	shalt  }
.Lfunc_end2:
_tile_overlayer_lowered:
.L_overlay_start_2:
0x77: {  	(tag) =	ssettag $0x2  }
0x78: {  	s0 =	rddreg [dreg:$0x0];
	s2 =	stileid.u32  }
0x79: {  	s1 =	rddreg [dreg:$0x1];
	p0 =	sne.s32 s2, $0x0  }
0x7a: {  	s3 =	rddreg [dreg:$0x2];
	[bflag:$0x3] =	sbarrier.arrive $0xFFFF;
	s2 =	simm.s32 @!p0 $0x1C03  }
0x7b: {  	[timem:s3], [sflag:s2] =	dma.local @!p0 [hbm:s0], s1  }
0x7c: {  	s0 =	simm.s32 @!p0 $0x3  }
0x7d: {  	_ =	swait.ge @!p0 [sflag:s0], s1  }
0x7e: {  	s1 =	ssub.s32 @!p0 $0x0, s1;
	[sflag:s0] =	ssyncset.done @!p0 $0x0  }
0x7f: {  	[sflag:s0] =	ssyncadd.s32 @!p0 s1  }
0x80: {  	[bflag:$0x3] =	sbarrier.arrive $0xFFFF  }
0x81: {  	_ =	shalt  }

// kernel: kernel.7.cloned.1.call-start
scs
__scs_entry_jumppad:
0x0: {  	(pc) =	sbr.rel $0x88, $3  }
0x1: {  	(tag) =	ssettag $0x0;
	lr =	simm.s32 $0x1  }
0x2: {  	[smem:$0x3F97] =	sst lr;
	_ =	strace $0xD0000000  }
0x3: {  	_ = 	snop  }
0x4: {  	_ = 	snop  }
0x5: {  	_ = 	snop  }
0x6: {  	_ = 	snop  }
0x7: {  	_ = 	snop  }
__scs_overlays_trampoline_lowered:
0x8: {  	[smem:$0x3FA6] =	sst s0  }
0x9: {  	[smem:$0x3FA7] =	sst s1  }
0xa: {  	[smem:$0x3FA8] =	sst s2  }
0xb: {  	[smem:$0x3FA9] =	sst s3  }
0xc: {  	[smem:$0x3FAA] =	sst s4  }
0xd: {  	[smem:$0x3FAB] =	sst s5  }
0xe: {  	[smem:$0x3FAC] =	sst s6  }
0xf: {  	[smem:$0x3FAD] =	sst s7  }
0x10: {  	[smem:$0x3FAE] =	sst s8  }
0x11: {  	[smem:$0x3FAF] =	sst s9;
	s0 =	simm.s32 @!p0 $0x0  }
0x12: {  	s1 =	sld [smem:$0x3F95];
	s0 =	simm.s32 @p0 $0x1  }
0x13: {  	[smem:$0x3FB0] =	sst s0;
	s0 =	simm.s32 @!p1 $0x0  }
0x14: {  	s2 =	sld [smem:$0x3F94];
	s0 =	simm.s32 @p1 $0x1  }
0x15: {  	[smem:$0x3FB1] =	sst s0;
	s0 =	simm.s32 @!p2 $0x0  }
0x16: {  	s3 =	sld [smem:$0x3FDB];
	s0 =	simm.s32 @p2 $0x1  }
0x17: {  	s4 =	simm.s32 $0x1BF5;
	[smem:$0x3FB3] =	sst s0  }
0x18: {  	s0 =	sld [smem:$0x3F96];
	_ =	swait.ge [sflag:s4], $0x0  }
0x19: {  	s7 =	sld [smem:$0x3F97]  }
0x1a: {  	s8 =	sadd.s32 $0xFFFFE003, lr  }
0x1b: {  	s9 =	sadd.s32 $0xFFFFFEF7, lr;
	s5 =	simm.s32 $0xFFFFFFFF;
	p2 =	slt.u32 s8, $0xFFFFF086  }
0x1c: {  	p1 =	slt.u32 s9, $0xF7A;
	s5 =	simm.s32 @!p2 $0x0  }
0x1d: {  	s5 =	simm.s32 @p1 $0x1;
	p0 =	seq.s32 s7, s2  }
0x1e: {  	s7 =	smul.u32 @!p0 $0xF7A, s2;
	p2 =	seq.s32 @!p0 s5, $0x0  }
0x1f: {  	s9 =	smul.u32 $0xF7A, s1;
	s8 =	simm.s32 @!p0 $0x1BF5;
	p2 =	por !p2, p0  }
0x20: {  	[sflag:s8] =	ssyncset.s32 @!p0 $0xFFFFF086;
	s6 =	sadd.s32 @!p0 s3, s7;
	s7 =	simm.s32 @!p0 $0x108  }
0x21: {  	s3 =	sadd.s32 s3, s9;
	s6 =	sadd.s32 @!p0 $0x88, s6;
	s7 =	simm.s32 @p2 $0x1082  }
0x22: {  	[simem:s7], [sflag:s8] =	dma.local @!p0 [hbm:s6], $0xF7A  }
0x23: {  	s9 =	sor.u32 $0xD0000000, s2;
	s6 =	simm.s32 $0x108;
	_ =	swait.ge @!p0 [sflag:s8], $0x0  }
0x24: {  	s3 =	sadd.s32 $0x88, s3;
	s6 =	simm.s32 @!p1 $0x1082;
	[sflag:s4] =	ssyncset.s32 $0xFFFFF086  }
0x25: {  	[simem:s6], [sflag:s4] =	dma.local [hbm:s3], $0xF7A  }
0x26: {  	[smem:$0x3F97] =	sst s1;
	(tag) =	ssettag s2;
	_ =	strace s9  }
0x27: {  	s1 =	sld [smem:$0x3FA7]  }
0x28: {  	s2 =	sld [smem:$0x3FA8]  }
0x29: {  	s4 =	sld [smem:$0x3FAA]  }
0x2a: {  	p0 =	seq.s32 s5, $0x0;
	s5 =	sld [smem:$0x3FAB]  }
0x2b: {  	s6 =	sld [smem:$0x3FAC]  }
0x2c: {  	s7 =	sld [smem:$0x3FAD]  }
0x2d: {  	s3 =	simm.s32 $0x108;
	s8 =	sld [smem:$0x3FAE]  }
0x2e: {  	s3 =	simm.s32 @!p0 $0x1082;
	s9 =	sld [smem:$0x3FAF]  }
0x2f: {  	lr =	sadd.s32 s0, s3;
	s0 =	sld [smem:$0x3FA6]  }
0x30: {  	s3 =	sld [smem:$0x3FA9]  }
0x31: {  	[smem:$0x3FB2] =	sst s10  }
0x32: {  	s10 =	sld [smem:$0x3FB0];
	_ =	sdelay $0x3  }
0x33: {  	p0 =	seq.s32 s10, $0x1;
	s10 =	sld [smem:$0x3FB2];
	_ =	sdelay $0x3  }
0x34: {  	[smem:$0x3FB2] =	sst s10  }
0x35: {  	s10 =	sld [smem:$0x3FB1];
	_ =	sdelay $0x3  }
0x36: {  	p1 =	seq.s32 s10, $0x1;
	s10 =	sld [smem:$0x3FB2];
	_ =	sdelay $0x3  }
0x37: {  	[smem:$0x3FB2] =	sst s10  }
0x38: {  	s10 =	sld [smem:$0x3FB3]  }
0x39: {  	_ = 	snop;
	(pc) =	sbr.ind lr, $3  }
0x3a: {  	_ = 	snop  }
0x3b: {  	_ = 	snop  }
0x3c: {  	p2 =	seq.s32 s10, $0x1;
	s10 =	sld [smem:$0x3FB2]  }
0x3d: {  	_ =	shalt  }
0x3e: {  	_ =	shalt  }
0x3f: {  	_ =	shalt  }
0x40: {  	_ =	shalt  }
0x41: {  	_ =	shalt  }
0x42: {  	_ =	shalt  }
0x43: {  	_ =	shalt  }
0x44: {  	_ =	shalt  }
0x45: {  	_ =	shalt  }
0x46: {  	_ =	shalt  }
0x47: {  	_ =	shalt  }
0x48: {  	_ =	shalt  }
0x49: {  	_ =	shalt  }
0x4a: {  	_ =	shalt  }
0x4b: {  	_ =	shalt  }
0x4c: {  	_ =	shalt  }
0x4d: {  	_ =	shalt  }
0x4e: {  	_ =	shalt  }
0x4f: {  	_ =	shalt  }
0x50: {  	_ =	shalt  }
0x51: {  	_ =	shalt  }
0x52: {  	_ =	shalt  }
0x53: {  	_ =	shalt  }
0x54: {  	_ =	shalt  }
0x55: {  	_ =	shalt  }
0x56: {  	_ =	shalt  }
0x57: {  	_ =	shalt  }
0x58: {  	_ =	shalt  }
0x59: {  	_ =	shalt  }
0x5a: {  	_ =	shalt  }
0x5b: {  	_ =	shalt  }
0x5c: {  	_ =	shalt  }
0x5d: {  	_ =	shalt  }
0x5e: {  	_ =	shalt  }
0x5f: {  	_ =	shalt  }
0x60: {  	_ =	shalt  }
0x61: {  	_ =	shalt  }
0x62: {  	_ =	shalt  }
0x63: {  	_ =	shalt  }
0x64: {  	_ =	shalt  }
0x65: {  	_ =	shalt  }
0x66: {  	_ =	shalt  }
0x67: {  	_ =	shalt  }
0x68: {  	_ =	shalt  }
0x69: {  	_ =	shalt  }
0x6a: {  	_ =	shalt  }
0x6b: {  	_ =	shalt  }
0x6c: {  	_ =	shalt  }
0x6d: {  	_ =	shalt  }
0x6e: {  	_ =	shalt  }
0x6f: {  	_ =	shalt  }
0x70: {  	_ =	shalt  }
0x71: {  	_ =	shalt  }
0x72: {  	_ =	shalt  }
0x73: {  	_ =	shalt  }
0x74: {  	_ =	shalt  }
0x75: {  	_ =	shalt  }
0x76: {  	_ =	shalt  }
0x77: {  	_ =	shalt  }
0x78: {  	_ =	shalt  }
0x79: {  	_ =	shalt  }
0x7a: {  	_ =	shalt  }
0x7b: {  	_ =	shalt  }
0x7c: {  	_ =	shalt  }
0x7d: {  	_ =	shalt  }
0x7e: {  	_ =	shalt  }
0x7f: {  	_ =	shalt  }
0x80: {  	_ =	shalt  }
0x81: {  	_ =	shalt  }
0x82: {  	_ =	shalt  }
0x83: {  	_ =	shalt  }
0x84: {  	_ =	shalt  }
0x85: {  	_ =	shalt  }
0x86: {  	_ =	shalt  }
0x87: {  	_ =	shalt  }
.Lfunc_end0:
.L_simem_size_0:
called_computation_lowered:
.L_overlay_start_0:
0x88: {  	s2 =	sld [smem:$0x3FD9]  }
0x89: {  	s3 =	sld [smem:$0x3FFE];
	_ =	sdelay $0x1  }
0x8a: {  	s1 =	srdreg.scid  }
0x8b: {  	s0 =	sand.u32 $0x1, s1  }
0x8c: {  	s16 =	sshll.u32 s0, $0xA;
	s2 =	sadd.s32 s3, s2  }
0x8d: {  	s2 =	sadd.s32 s2, s16  }
0x8e: {  	[smem:$0x3FBE] =	sst s2  }
0x8f: {  	_ = 	snop  }
0x90: {  	(tm) =	ssettm $0x1  }
0x91: {  	s17 =	sld [smem:$0x3FFB];
	_ =	sdelay $0x3  }
0x92: {  	_ =	strace s17  }
0x93: {  	s2 =	sld [smem:$0x3FFC];
	_ =	sdelay $0x3  }
0x94: {  	_ =	strace s2  }
0x95: {  	s2 =	sld [smem:$0x3FFD];
	_ =	sdelay $0x3  }
0x96: {  	_ =	strace s2  }
0x97: {  	_ =	strace $0x8FFFFFFF  }
0x98: {  	s18 =	sld [smem:$0x3FDB];
	_ =	sdelay $0x1  }
0x99: {  	s19 =	simm.s32 $_scs_section_size  }
0x9a: {  	s4 =	simm.s32 $_size__tile_overlayer_lowered;
	s5 =	simm.s32 $_tile_overlayer_lowered  }
0x9b: {  	s22 =	simm.s32 $0x1BFF;
	s21 =	sshll.u32 s5, $0x1;
	s2 =	sadd.s32 s19, s18  }
0x9c: {  	s6 =	simm.s32 $0x0;
	s20 =	sshll.u32 s4, $0x1;
	s4 =	sadd.s32 s21, s2  }
0x9d: {  	[timem:s6], [sflag:s22] =	dma.local [hbm:s4], s20  }
0x9e: {  	_ =	swait.ge [sflag:s22], s20  }
0x9f: {  	s3 =	ssub.s32 $0x0, s20;
	[sflag:s22] =	ssyncset.done $0x0  }
0xa0: {  	[sflag:s22] =	ssyncadd.s32 s3;
	_ =	sdelay $0x1  }
0xa1: {  	s23 =	simm.s32 $0x1B8B  }
0xa2: {  	_ =	swait.ge [sflag:s23], $0x1  }
0xa3: {  	[sflag:s23] =	ssyncset.done $0x0  }
0xa4: {  	s25 =	simm.s32 $0x1B8E;
	s24 =	sld [smem:$0x3FFE];
	[sflag:s23] =	ssyncadd.s32 $0xFFFFFFFF  }
0xa5: {  	s26 =	simm.s32 $execute0_lowered;
	[smem:$0x3FD2] =	sst s25  }
0xa6: {  	s4 =	sshll.u32 s26, $0x1;
	_ =	strace $0x80000046;
	[dreg:$0x1] =	wrdreg $0xFFFFFFFF  }
0xa7: {  	s28 =	simm.s32 $_size_execute0_lowered;
	s2 =	sadd.s32 s2, s4;
	[dreg:$0x0] =	wrdreg $0x0  }
0xa8: {  	s4 =	sshll.u32 s28, $0x1;
	[dreg:$0x2] =	wrdreg s2  }
0xa9: {  	[dreg:$0x3] =	wrdreg s4  }
0xaa: {  	[dreg:$0x4] =	wrdreg $0xC0  }
0xab: {  	_ =	task [dreg:s6], $0x5FFFF  }
0xac: {  	[dreg:$0x1] =	wrdreg $0xFFFFFFFF  }
0xad: {  	[dreg:$0x0] =	wrdreg $0x60  }
0xae: {  	[dreg:$0x2] =	wrdreg s24  }
0xaf: {  	[dreg:$0x3] =	wrdreg $0x9  }
0xb0: {  	_ =	task.clear_ibuf [dreg:s6], $0x4FFFF;
	_ =	strace $0x90000046  }
0xb1: {  	s29 =	simm.s32 $0x9;
	_ =	strace $0x80000048  }
0xb2: {  	_ =	swait.ge [sflag:s29], $0x1  }
0xb3: {  	[sflag:s29] =	ssyncadd.s32 $0xFFFFFFFF  }
0xb4: {  	_ =	strace $0x90000048  }
0xb5: {  	_ =	sfence  }
0xb6: {  	s30 =	sld [smem:$0x0];
	_ =	sdelay $0x2  }
0xb7: {  	s31 =	sshll.u32 s1, $0xD;
	s1 =	sshrl.u32 s1, $0x2  }
0xb8: {  	s3 =	sand.u32 $0x4000, s31;
	s1 =	sadd.s32 s1, s30  }
0xb9: {  	s0 =	sor.u32 s3, s0;
	s1 =	sshll.u32 s1, $0x11  }
0xba: {  	s0 =	sor.u32 s1, s0  }
0xbb: {  	s0 =	sadd.s32 $0x8F2B, s0  }
0xbc: {  	[sflag:s0] =	ssyncadd.remote.s32 $0x1  }
0xbd: {  	_ =	sfence.sel $0xFFFF  }
0xbe: {  	[dreg:$0x0] =	wrdreg $0xFFFFFFFF;
	(pc) =	sbr.abs _section_cstart, $3  }
0xbf: {  	[dreg:$0x1] =	wrdreg $0xFFFFFFFF  }
0xc0: {  	_ =	task.clear_ibuf [dreg:s6], $0x2FFFF;
	_ =	strace $0x9FFFFFFF  }
0xc1: {  	(tm) =	ssettm $0x7FFFFFFF  }
tec
execute0_lowered:
.L_overlay_start_1:
0x0: {  	(tag) =	ssettag $0x1  }
0x1: {  	s0 =	srdreg.scid;
	s6 =	rddreg [dreg:$0x0]  }
0x2: {  	s2 =	simm.s32 $0x0;
	s14 =	simm.s32 $0x80;
	s15 =	simm.s32 $0x5000  }
0x3: {  	s16 =	simm.s32 $0x9000;
	s17 =	simm.s32 $0xD000;
	s18 =	simm.s32 $0x11000  }
0x4: {  	s19 =	simm.s32 $0x1;
	s7 =	sand.u32 $0x1, s0;
	s0 =	stileid.u32  }
0x5: {  	s20 =	simm.s32 $0x2;
	s21 =	simm.s32 $0x3;
	s8 =	smul.u32 $0xFFFFFFB0, s0  }
0x6: {  	s22 =	simm.s32 $0x4;
	s23 =	simm.s32 $0x0;
	s9 =	smul.u32 $0xFFFFFB00, s7  }
0x7: {  	[smem:$0x7FF] =	sst s2;
	s4 =	sadd.s32 $0x3D800, s6;
	s12 =	smul.u32 $0x280000, s7  }
0x8: {  	s1 =	sshll.u32 s7, $0x4;
	s11 =	ssub.s32 $0x2, s7;
	s13 =	smul.u32 $0x28000, s0  }
0x9: {  	s3 =	sor.u32 s0, s1;
	s1 =	rddreg [dreg:$0x1];
	_ =	strace $0x80000047  }
0xa: {  	s31 =	sshrl.u32 s11, $0x1;
	s5 =	smul.u32 $0x500, s3;
	s9 =	sadd.s32 s8, s9  }
0xb: {  	s3 =	sadd.s32 $0x16600, s6;
	s11 =	ssub.s32 s11, s31;
	p0 =	slt.s32 s9, $0xFFFFF68C  }
0xc: {  	s10 =	sadd.s32 s5, s6;
	s5 =	sadd.s32 $0x64A00, s6;
	s6 =	sadd.s32 $0x546A00, s6  }
0xd: {  	s9 =	simm.s32 @!p0 $0xFFFFF68C;
	s7 =	sadd.s32 $0x2600, s10;
	s8 =	sadd.s32 $0xC600, s10  }
0xe: {  	s9 =	sadd.s32 $0x9C4, s9;
	s10 =	smax.u32 s11, $0x1;
	s11 =	sadd.s32 s13, s12  }
0xf: {  	s12 =	simm.s32 $0x5;
	s13 =	simm.s32 $0x2800;
	s9 =	sshrl.u32 s9, $0x1  }
.LBB2_1:
0x10: {  	[tilespmem:s2], [sflag:$0x5] =	stream.linear.gather [hbm4b:s7+s2], $0x2800, $0x38;
	[tilespmem:$0x15000] =	vst v63  }
0x11: {  	_ =	swait.ge [sflag:s12], $0x2800  }
0x12: {  	p1 =	sne.s32 s9, $0x1;
	[sflag:s12] =	ssyncset.done $0x0  }
.Ltmp0:
0x13: {  	[sflag:s12] =	ssyncadd.s32 $0xFFFFD800;
	(pc) =	sbr.rel @!p1 .LBB2_5-.Ltmp0, $4  }
0x14: {  	[tilespmem:s13], [sflag:$0x5] =	stream.linear.gather [hbm4b:s8+s2], $0x2800, $0x38;
	[tilespmem:$0x15000] =	vst v63  }
0x15: {  	s24 =	simm.s32 $0x2880;
	s29 =	sadd.s32 $0xFFFFFFFF, s9;
	_ =	swait.ge [sflag:s12], $0x2800  }
0x16: {  	p0 =	por $0x0, $0x0;
	s26 =	simm.s32 $0x80;
	[sflag:s12] =	ssyncset.done $0x0  }
0x17: {  	s28 =	simm.s32 $0x2880;
	s25 =	smov.u32 s11;
	[sflag:s12] =	ssyncadd.s32 $0xFFFFD800  }
0x18: {  	s25 =	simm.s32 $0x0  }
0x19: {  	[tilespmem:s15], [sflag:$0x1] =	stream.indirect.gather [hbm4b:s3+s14], $0x80, s25, s14, $0xb8;
	[tilespmem:$0x15000] =	vst v63  }
0x1a: {  	s31 =	simm.s32 $0x2800  }
0x1b: {  	[tilespmem:s16], [sflag:$0x2] =	stream.indirect.gather [hbm4b:s4+s14], $0x80, s31, s14, $0xb8;
	[tilespmem:$0x15000] =	vst v63  }
0x1c: {  	_ = 	snop  }
0x1d: {  	[tilespmem:s17], [sflag:$0x3] =	stream.indirect.gather [hbm4b:s3+s14], $0x80, s14, s14, $0xb8;
	[tilespmem:$0x15000] =	vst v63  }
0x1e: {  	_ = 	snop  }
0x1f: {  	[tilespmem:s18], [sflag:$0x4] =	stream.indirect.gather [hbm4b:s4+s14], $0x80, s24, s14, $0xb8;
	[tilespmem:$0x15000] =	vst v63  }
0x20: {  	_ =	swait.ge [sflag:s19], $0x4000  }
0x21: {  	[sflag:s19] =	ssyncset.done $0x0  }
0x22: {  	s26 =	sadd.s32 s11, s5;
	[sflag:s19] =	ssyncadd.s32 $0xFFFFC000  }
0x23: {  	[hbm4b:s26+s2] =	stream.linear.scatter [tilespmem:s15], [sflag:$0x1], $0x4000, $0x38;
	[tilespmem:$0x15000] =	vst v63  }
0x24: {  	_ =	swait.ge [sflag:s20], $0x4000  }
0x25: {  	[sflag:s20] =	ssyncset.done $0x0  }
0x26: {  	s30 =	sadd.s32 s11, s6;
	[sflag:s20] =	ssyncadd.s32 $0xFFFFC000  }
0x27: {  	[hbm4b:s30+s2] =	stream.linear.scatter [tilespmem:s16], [sflag:$0x2], $0x4000, $0x38;
	[tilespmem:$0x15000] =	vst v63  }
0x28: {  	s31 =	sand.u32 $0x1FFFF000, s11;
	_ =	swait.ge [sflag:s21], $0x4000  }
0x29: {  	s25 =	sor.u32 $0x800, s31;
	[sflag:s21] =	ssyncset.done $0x0  }
0x2a: {  	s26 =	sadd.s32 s5, s25;
	[sflag:s21] =	ssyncadd.s32 $0xFFFFC000  }
0x2b: {  	[hbm4b:s26+s2] =	stream.linear.scatter [tilespmem:s17], [sflag:$0x3], $0x4000, $0x38;
	[tilespmem:$0x15000] =	vst v63  }
0x2c: {  	_ =	swait.ge [sflag:s22], $0x4000  }
0x2d: {  	[sflag:s22] =	ssyncset.done $0x0  }
0x2e: {  	s25 =	sadd.s32 s6, s25;
	[sflag:s22] =	ssyncadd.s32 $0xFFFFC000  }
0x2f: {  	[hbm4b:s25+s2] =	stream.linear.scatter [tilespmem:s18], [sflag:$0x4], $0x4000, $0x38;
	[tilespmem:$0x15000] =	vst v63  }
0x30: {  	_ =	swait.ge [sflag:s19], $0x4000  }
0x31: {  	[sflag:s19] =	ssyncset.done $0x0  }
0x32: {  	[sflag:s19] =	ssyncadd.s32 $0xFFFFC000  }
0x33: {  	_ =	swait.ge [sflag:s20], $0x4000  }
0x34: {  	[sflag:s20] =	ssyncset.done $0x0  }
0x35: {  	p1 =	sne.s32 s29, $0x1;
	[sflag:s20] =	ssyncadd.s32 $0xFFFFC000  }
.Ltmp1:
0x36: {  	_ =	swait.ge [sflag:s21], $0x4000;
	(pc) =	sbr.rel @!p1 .LBB2_3-.Ltmp1, $4  }
0x37: {  	[sflag:s21] =	ssyncset.done $0x0  }
0x38: {  	s29 =	sadd.s32 $0xFFFFFFFF, s29;
	[sflag:s21] =	ssyncadd.s32 $0xFFFFC000  }
0x39: {  	p0 =	por $0x1, $0x1;
	s28 =	simm.s32 $0x2880;
	_ =	swait.ge [sflag:s22], $0x4000  }
0x3a: {  	s26 =	simm.s32 $0x180;
	s25 =	sadd.s32 $0x1000, s11;
	[sflag:s22] =	ssyncset.done $0x0  }
.LBB2_4:
0x3b: {  	s30 =	sadd.s32 $0xFFFFFF80, s26;
	[sflag:s22] =	ssyncadd.s32 $0xFFFFC000;
	s28 =	sadd.s32 $0x100, s28  }
0x3c: {  	[tilespmem:s15], [sflag:$0x1] =	stream.indirect.gather [hbm4b:s3+s14], $0x80, s30, s14, $0xb8;
	[tilespmem:$0x15000] =	vst v63  }
0x3d: {  	p1 =	sne.s32 s29, $0x1;
	s29 =	sadd.s32 $0xFFFFFFFF, s29;
	s30 =	sadd.s32 $0xFFFFFF80, s28  }
0x3e: {  	[tilespmem:s16], [sflag:$0x2] =	stream.indirect.gather [hbm4b:s4+s14], $0x80, s30, s14, $0xb8;
	[tilespmem:$0x15000] =	vst v63  }
0x3f: {  	_ = 	snop  }
0x40: {  	[tilespmem:s17], [sflag:$0x3] =	stream.indirect.gather [hbm4b:s3+s14], $0x80, s26, s14, $0xb8;
	[tilespmem:$0x15000] =	vst v63  }
0x41: {  	_ = 	snop  }
0x42: {  	[tilespmem:s18], [sflag:$0x4] =	stream.indirect.gather [hbm4b:s4+s14], $0x80, s28, s14, $0xb8;
	[tilespmem:$0x15000] =	vst v63  }
0x43: {  	_ =	swait.ge [sflag:s19], $0x4000  }
0x44: {  	[sflag:s19] =	ssyncset.done $0x0  }
0x45: {  	s30 =	sadd.s32 s25, s5;
	[sflag:s19] =	ssyncadd.s32 $0xFFFFC000  }
0x46: {  	[hbm4b:s30+s2] =	stream.linear.scatter [tilespmem:s15], [sflag:$0x1], $0x4000, $0x38;
	[tilespmem:$0x15000] =	vst v63  }
0x47: {  	_ =	swait.ge [sflag:s20], $0x4000  }
0x48: {  	[sflag:s20] =	ssyncset.done $0x0  }
0x49: {  	s30 =	sadd.s32 s25, s6;
	[sflag:s20] =	ssyncadd.s32 $0xFFFFC000  }
0x4a: {  	[hbm4b:s30+s2] =	stream.linear.scatter [tilespmem:s16], [sflag:$0x2], $0x4000, $0x38;
	[tilespmem:$0x15000] =	vst v63  }
0x4b: {  	s30 =	sand.u32 $0x1FFFF000, s25;
	_ =	swait.ge [sflag:s21], $0x4000  }
0x4c: {  	s30 =	sor.u32 $0x800, s30;
	[sflag:s21] =	ssyncset.done $0x0  }
0x4d: {  	s31 =	sadd.s32 s5, s30;
	[sflag:s21] =	ssyncadd.s32 $0xFFFFC000  }
0x4e: {  	[hbm4b:s31+s2] =	stream.linear.scatter [tilespmem:s17], [sflag:$0x3], $0x4000, $0x38;
	[tilespmem:$0x15000] =	vst v63  }
0x4f: {  	_ =	swait.ge [sflag:s22], $0x4000  }
0x50: {  	[sflag:s22] =	ssyncset.done $0x0  }
0x51: {  	s30 =	sadd.s32 s6, s30;
	[sflag:s22] =	ssyncadd.s32 $0xFFFFC000  }
0x52: {  	[hbm4b:s30+s2] =	stream.linear.scatter [tilespmem:s18], [sflag:$0x4], $0x4000, $0x38;
	[tilespmem:$0x15000] =	vst v63  }
0x53: {  	_ =	swait.ge [sflag:s19], $0x4000  }
0x54: {  	[sflag:s19] =	ssyncset.done $0x0  }
0x55: {  	[sflag:s19] =	ssyncadd.s32 $0xFFFFC000  }
0x56: {  	_ =	swait.ge [sflag:s20], $0x4000  }
0x57: {  	[sflag:s20] =	ssyncset.done $0x0  }
0x58: {  	[sflag:s20] =	ssyncadd.s32 $0xFFFFC000  }
.Ltmp2:
0x59: {  	_ =	swait.ge [sflag:s21], $0x4000;
	(pc) =	sbr.rel @p1 .LBB2_4-.Ltmp2, $4  }
0x5a: {  	[sflag:s21] =	ssyncset.done $0x0  }
0x5b: {  	[sflag:s21] =	ssyncadd.s32 $0xFFFFC000  }
0x5c: {  	_ =	swait.ge [sflag:s22], $0x4000  }
0x5d: {  	s26 =	sadd.s32 $0x100, s26;
	s25 =	sadd.s32 $0x1000, s25;
	[sflag:s22] =	ssyncset.done $0x0  }
.LBB2_5:
0x5e: {  	s29 =	sadd.s32 $0xFFFFFF80, s26;
	[sflag:s22] =	ssyncadd.s32 @p0 $0xFFFFC000;
	s28 =	sadd.s32 @p0 $0x100, s28  }
0x5f: {  	[tilespmem:s15], [sflag:$0x1] =	stream.indirect.gather [hbm4b:s3+s14], $0x80, s29, s14, $0xb8;
	[tilespmem:$0x15000] =	vst v63  }
0x60: {  	s24 =	smov.u32 @p0 s28  }
0x61: {  	s28 =	sadd.s32 $0xFFFFFF80, s24  }
0x62: {  	[tilespmem:s16], [sflag:$0x2] =	stream.indirect.gather [hbm4b:s4+s14], $0x80, s28, s14, $0xb8;
	[tilespmem:$0x15000] =	vst v63  }
0x63: {  	_ = 	snop  }
0x64: {  	[tilespmem:s17], [sflag:$0x3] =	stream.indirect.gather [hbm4b:s3+s14], $0x80, s26, s14, $0xb8;
	[tilespmem:$0x15000] =	vst v63  }
0x65: {  	_ = 	snop  }
0x66: {  	[tilespmem:s18], [sflag:$0x4] =	stream.indirect.gather [hbm4b:s4+s14], $0x80, s24, s14, $0xb8;
	[tilespmem:$0x15000] =	vst v63  }
0x67: {  	_ =	swait.ge [sflag:s19], $0x4000  }
0x68: {  	[sflag:s19] =	ssyncset.done $0x0  }
0x69: {  	s28 =	sadd.s32 s25, s5;
	[sflag:s19] =	ssyncadd.s32 $0xFFFFC000  }
0x6a: {  	[hbm4b:s28+s2] =	stream.linear.scatter [tilespmem:s15], [sflag:$0x1], $0x4000, $0x38;
	[tilespmem:$0x15000] =	vst v63  }
0x6b: {  	_ =	swait.ge [sflag:s20], $0x4000  }
0x6c: {  	[sflag:s20] =	ssyncset.done $0x0  }
0x6d: {  	s29 =	sadd.s32 s25, s6;
	[sflag:s20] =	ssyncadd.s32 $0xFFFFC000  }
0x6e: {  	[hbm4b:s29+s2] =	stream.linear.scatter [tilespmem:s16], [sflag:$0x2], $0x4000, $0x38;
	[tilespmem:$0x15000] =	vst v63  }
0x6f: {  	s30 =	sand.u32 $0x1FFFF000, s25;
	_ =	swait.ge [sflag:s21], $0x4000  }
0x70: {  	s24 =	sor.u32 $0x800, s30;
	[sflag:s21] =	ssyncset.done $0x0  }
0x71: {  	s31 =	sadd.s32 s5, s24;
	[sflag:s21] =	ssyncadd.s32 $0xFFFFC000  }
0x72: {  	[hbm4b:s31+s2] =	stream.linear.scatter [tilespmem:s17], [sflag:$0x3], $0x4000, $0x38;
	[tilespmem:$0x15000] =	vst v63  }
0x73: {  	_ =	swait.ge [sflag:s22], $0x4000  }
0x74: {  	[sflag:s22] =	ssyncset.done $0x0  }
0x75: {  	s24 =	sadd.s32 s6, s24;
	[sflag:s22] =	ssyncadd.s32 $0xFFFFC000  }
0x76: {  	[hbm4b:s24+s2] =	stream.linear.scatter [tilespmem:s18], [sflag:$0x4], $0x4000, $0x38;
	[tilespmem:$0x15000] =	vst v63  }
0x77: {  	_ =	swait.ge [sflag:s19], $0x4000  }
0x78: {  	[sflag:s19] =	ssyncset.done $0x0  }
0x79: {  	[sflag:s19] =	ssyncadd.s32 $0xFFFFC000  }
0x7a: {  	_ =	swait.ge [sflag:s20], $0x4000  }
0x7b: {  	[sflag:s20] =	ssyncset.done $0x0  }
0x7c: {  	s23 =	sadd.s32 $0x1, s23;
	[sflag:s20] =	ssyncadd.s32 $0xFFFFC000  }
0x7d: {  	p0 =	sne.s32 s23, s10;
	_ =	swait.ge [sflag:s21], $0x4000  }
.Ltmp3:
0x7e: {  	[sflag:s21] =	ssyncset.done $0x0;
	(pc) =	sbr.rel @p0 .LBB2_1-.Ltmp3, $4  }
.Ltmp4:
0x7f: {  	[sflag:s21] =	ssyncadd.s32 $0xFFFFC000;
	(pc) =	sbr.rel @!p0 .LBB2_6-.Ltmp4, $4  }
0x80: {  	_ =	swait.ge [sflag:s22], $0x4000  }
0x81: {  	[sflag:s22] =	ssyncset.done $0x0  }
0x82: {  	[sflag:s22] =	ssyncadd.s32 $0xFFFFC000  }
0x83: {  	_ = 	snop  }
.LBB2_3:
.Ltmp5:
0x84: {  	(pc) =	sbr.rel .LBB2_5-.Ltmp5, $2  }
0x85: {  	_ =	sdelay $0x2  }
0x86: {  	s28 =	simm.s32 $0x2880  }
.LBB2_6:
0x87: {  	_ =	sfence.sel $0x180000  }
0x88: {  	[bflag:$0x0] =	sbarrier.arrive $0xFFFF  }
0x89: {  	p0 =	sne.s32 s0, $0x0;
	_ =	strace $0x90000047  }
0x8a: {  	s0 =	sadd.s32 @!p0 $0x100000, s1;
	[bflag:$0x2] =	sbarrier.arrive $0xFFFF  }
0x8b: {  	[sflag:s0] =	ssyncadd.tile.s32 @!p0 $0x1;
	_ =	shalt  }
.Lfunc_end2:
_tile_overlayer_lowered:
.L_overlay_start_2:
0x8c: {  	(tag) =	ssettag $0x2  }
0x8d: {  	s0 =	rddreg [dreg:$0x0];
	s2 =	stileid.u32  }
0x8e: {  	s1 =	rddreg [dreg:$0x1];
	p0 =	sne.s32 s2, $0x0  }
0x8f: {  	s3 =	rddreg [dreg:$0x2];
	[bflag:$0x3] =	sbarrier.arrive $0xFFFF;
	s2 =	simm.s32 @!p0 $0x1C05  }
0x90: {  	[timem:s3], [sflag:s2] =	dma.local @!p0 [hbm:s0], s1  }
0x91: {  	s0 =	simm.s32 @!p0 $0x5  }
0x92: {  	_ =	swait.ge @!p0 [sflag:s0], s1  }
0x93: {  	s1 =	ssub.s32 @!p0 $0x0, s1;
	[sflag:s0] =	ssyncset.done @!p0 $0x0  }
0x94: {  	[sflag:s0] =	ssyncadd.s32 @!p0 s1  }
0x95: {  	[bflag:$0x3] =	sbarrier.arrive $0xFFFF  }
0x96: {  	_ =	shalt  }

</sc_bundles>
